<compile_context>
chip_gen: v7x
topology: tpu7x:2x2x1
jax: 0.10.2.dev20260603
libtpu: 0.0.44.dev20260713+nightly
codegen_flags: <defaults>
</compile_context>

<pallas_src>
import functools
import math

import jax
import jax.numpy as jnp
import numpy as _np
from jax.experimental import pallas as pl
from jax.experimental.pallas import tpu as pltpu
from jax.experimental.pallas import tpu_sc as plsc

_N = 1048576
_D = 2
_LANES = 128
_G = _N // _LANES
_GS = 1024
_GT = _G - _GS
_BLK = 1024
_CG = 8
_SCL = 16
_C = float(_np.float32(-0.5 * _D * math.log(2.0 * math.pi)))


def _tc_body(scale_ref, shift_ref, eps_ref, prob_ref, out_ref):
    e = eps_ref[...]
    sub = jax.lax.broadcasted_iota(jnp.int32, e.shape, 0)
    even = (sub & 1) == 0
    sv = jnp.where(even, scale_ref[0], scale_ref[1])
    tv = jnp.where(even, shift_ref[0], shift_ref[1])
    z = sv * e + tv
    u = z * z
    v = u + jnp.concatenate([u[1:, :], u[:1, :]], axis=0)
    s2 = jnp.where(even, v, jnp.concatenate([v[-1:, :], v[:-1, :]], axis=0))
    lp = _C - 0.5 * s2
    p_ = jnp.exp(lp - _C)
    pe = jnp.repeat(prob_ref[...], _D, axis=0)
    out_ref[...] = jnp.where(p_ > pe, z, jnp.zeros_like(z))


def _tc_call(eps_flat, prob_t, prop_scale, prop_shift):
    return pl.pallas_call(
        _tc_body,
        grid=(_GT // _BLK,),
        in_specs=[
            pl.BlockSpec(memory_space=pltpu.SMEM),
            pl.BlockSpec(memory_space=pltpu.SMEM),
            pl.BlockSpec((_BLK * _D, _LANES), lambda i: (i, 0)),
            pl.BlockSpec((_BLK, _LANES), lambda i: (i, 0)),
        ],
        out_specs=pl.BlockSpec((_BLK * _D, _LANES), lambda i: (i, 0)),
        out_shape=jax.ShapeDtypeStruct((_GT * _D, _LANES), jnp.float32),
    )(prop_scale, prop_shift, eps_flat, prob_t)


def _sc_call(eps_flat, prob_t, scale_mat, shift_mat):
    mesh = plsc.VectorSubcoreMesh(core_axis_name="c", subcore_axis_name="s")
    off = _GT // _CG

    @functools.partial(
        pl.kernel,
        out_type=jax.ShapeDtypeStruct((_GS * _D, _LANES), jnp.float32),
        mesh=mesh,
        scratch_types=[
            pltpu.VMEM((_D, _SCL), jnp.float32),
            pltpu.VMEM((_D, _SCL), jnp.float32),
        ],
    )
    def sck(eps_hbm, prob_hbm, scale_hbm, shift_hbm, out_hbm, sc_v, sh_v):
        pltpu.sync_copy(scale_hbm, sc_v)
        pltpu.sync_copy(shift_hbm, sh_v)
        s0, s1 = sc_v[0, :], sc_v[1, :]
        t0, t1 = sh_v[0, :], sh_v[1, :]

        def body(eps_vmem, prob_vmem, out_vmem):
            @pl.loop(0, _CG)
            def _(g):
                @pl.loop(0, _LANES, step=_SCL)
                def _(l):
                    sl = pl.ds(l, _SCL)
                    e0 = eps_vmem[2 * g, sl]
                    e1 = eps_vmem[2 * g + 1, sl]
                    z0 = s0 * e0 + t0
                    z1 = s1 * e1 + t1
                    s2 = z0 * z0 + z1 * z1
                    lp = _C - 0.5 * s2
                    p_ = jnp.exp(lp - _C)
                    acc = p_ > prob_vmem[g, sl]
                    zero = jnp.zeros((_SCL,), jnp.float32)
                    out_vmem[2 * g, sl] = jnp.where(acc, z0, zero)
                    out_vmem[2 * g + 1, sl] = jnp.where(acc, z1, zero)

        pltpu.emit_pipeline(
            body,
            grid=(_GS // _CG,),
            in_specs=[
                pl.BlockSpec((_D * _CG, _LANES), lambda i: (i + off, 0)),
                pl.BlockSpec((_CG, _LANES), lambda i: (i + off, 0)),
            ],
            out_specs=[pl.BlockSpec((_D * _CG, _LANES), lambda i: (i, 0))],
            core_axis_name=("c", "s"),
            dimension_semantics=(pltpu.PARALLEL,),
        )(eps_hbm, prob_hbm, out_hbm)

    return sck(eps_flat, prob_t, scale_mat, shift_mat)


def kernel(eps, prob, prop_scale, prop_shift):
    eps_flat = (eps.reshape(_G, _LANES, _D)
                .transpose(0, 2, 1)
                .reshape(_G * _D, _LANES))
    prob_t = prob.reshape(_G, _LANES)
    scale_mat = jnp.broadcast_to(prop_scale[:, None], (_D, _SCL))
    shift_mat = jnp.broadcast_to(prop_shift[:, None], (_D, _SCL))
    out_sc = _sc_call(eps_flat, prob_t, scale_mat, shift_mat)
    out_tc = _tc_call(eps_flat, prob_t, prop_scale, prop_shift)
    out = jnp.concatenate([out_tc, out_sc], axis=0)
    return (out.reshape(_G, _D, _LANES)
            .transpose(0, 2, 1)
            .reshape(_N, _D))

# --- scband reference (transcript-rebuilt; emitter-appended) ---
"""Pipeline reference for scband-target-26027501813917 (READ-ONLY COPY).

The authoritative reference and input builder live on the scoring server;
editing this copy changes nothing except your own understanding.
"""

import jax, jax.numpy as jnp
import numpy as np

N_STEPS = 1048576
N_DIMS = 2


def _log_prob(z):
    # Concrete standard-Gaussian log_prob (base class is abstract; this is the
    # canonical subclass behavior used for testing normalizing flows).
    d = z.shape[-1]
    return -0.5 * d * jnp.log(2.0 * jnp.pi) - 0.5 * jnp.sum(z * z, axis=-1)


def setup_inputs(seed: int = 0) -> dict:
    key = jax.random.key(seed)
    k1, k2 = jax.random.split(key)
    eps = jax.random.uniform(k1, (N_STEPS, N_DIMS), dtype=jnp.float32)
    prob = jax.random.uniform(k2, (N_STEPS,), dtype=jnp.float32)
    prop_scale = jnp.full((N_DIMS,), 6.0, dtype=jnp.float32)
    prop_shift = jnp.full((N_DIMS,), -3.0, dtype=jnp.float32)
    return {"eps": eps, "prob": prob, "prop_scale": prop_scale, "prop_shift": prop_shift}


def reference(eps, prob, prop_scale, prop_shift):
    # rejection_sampling: z_ = prop_scale * eps + prop_shift
    z_ = prop_scale * eps + prop_shift
    d = z_.shape[-1]
    max_log_prob = -0.5 * d * jnp.log(2.0 * jnp.pi)  # max of standard Gaussian log-density
    prob_ = jnp.exp(_log_prob(z_) - max_log_prob)
    accept = prob_ > prob
    # Fixed-shape analogue of z_[accept, :]: rejected rows zeroed (jit-friendly).
    z = jnp.where(accept[:, None], z_, jnp.zeros_like(z_))
    return z

if __name__ == "__main__":
    import jax
    _d = setup_inputs()
    print(jax.jit(kernel)(*tuple(_d.values())))

</pallas_src>

<mosaic_0001>
#map = affine_map<(d0, d1) -> (0, 0)>
module attributes {stable_mosaic.version = 14 : i64} {
  func.func @sck(%arg0: i32, %arg1: i32, %arg2: memref<16384x128xf32, #tpu.memory_space<hbm>>, %arg3: memref<8192x128xf32, #tpu.memory_space<hbm>>, %arg4: memref<2x16xf32, #tpu.memory_space<hbm>>, %arg5: memref<2x16xf32, #tpu.memory_space<hbm>>, %arg6: memref<2048x128xf32, #tpu.memory_space<hbm>>, %arg7: memref<2x16xf32, #tpu.memory_space<vmem>>, %arg8: memref<2x16xf32, #tpu.memory_space<vmem>>) attributes {dimension_semantics = [#tpu.dimension_semantics<core_parallel>, #tpu.dimension_semantics<subcore_parallel>], iteration_bounds = array<i64: 2, 16>, scalar_prefetch = 0 : i64, scratch_operands = 2 : i64, tpu.core_type = #tpu.core_type<sc_vector_subcore>, window_params = [{transform_indices = #map}, {transform_indices = #map}, {transform_indices = #map}, {transform_indices = #map}, {transform_indices = #map}]} {
    "tpu.region"() ({
      %run_scoped3A = tpu.sem_alloc : memref<!tpu.dma_semaphore, #tpu.memory_space<semaphore_mem>>
      tpu.enqueue_dma source(%arg4 : memref<2x16xf32, #tpu.memory_space<hbm>>) target(%arg7 : memref<2x16xf32, #tpu.memory_space<vmem>>) target_semaphore(%run_scoped3A : memref<!tpu.dma_semaphore, #tpu.memory_space<semaphore_mem>>)
      tpu.wait_dma2 semaphore(%run_scoped3A : memref<!tpu.dma_semaphore, #tpu.memory_space<semaphore_mem>>) src(%arg4 : memref<2x16xf32, #tpu.memory_space<hbm>>) dst(%arg7 : memref<2x16xf32, #tpu.memory_space<vmem>>)
      tpu.yield
    }) : () -> ()
    "tpu.region"() ({
      %run_scoped3A = tpu.sem_alloc : memref<!tpu.dma_semaphore, #tpu.memory_space<semaphore_mem>>
      tpu.enqueue_dma source(%arg5 : memref<2x16xf32, #tpu.memory_space<hbm>>) target(%arg8 : memref<2x16xf32, #tpu.memory_space<vmem>>) target_semaphore(%run_scoped3A : memref<!tpu.dma_semaphore, #tpu.memory_space<semaphore_mem>>)
      tpu.wait_dma2 semaphore(%run_scoped3A : memref<!tpu.dma_semaphore, #tpu.memory_space<semaphore_mem>>) src(%arg5 : memref<2x16xf32, #tpu.memory_space<hbm>>) dst(%arg8 : memref<2x16xf32, #tpu.memory_space<vmem>>)
      tpu.yield
    }) : () -> ()
    %get3A = arith.constant 0 : i32
    %get3A_0 = arith.index_cast %get3A : i32 to index
    %get3A_1 = arith.constant 0 : index
    %get3A_2 = tpu.vector_load %arg7[%get3A_0, %get3A_1] {strides = array<i32>} : memref<2x16xf32, #tpu.memory_space<vmem>>, vector<1x16xf32>,
    %get3A_3 = vector.shape_cast %get3A_2 : vector<1x16xf32> to vector<16xf32>
    %get3A_4 = arith.constant 1 : i32
    %get3A_5 = arith.index_cast %get3A_4 : i32 to index
    %get3A_6 = arith.constant 0 : index
    %get3A_7 = tpu.vector_load %arg7[%get3A_5, %get3A_6] {strides = array<i32>} : memref<2x16xf32, #tpu.memory_space<vmem>>, vector<1x16xf32>,
    %get3A_8 = vector.shape_cast %get3A_7 : vector<1x16xf32> to vector<16xf32>
    %get3A_9 = arith.constant 0 : i32
    %get3A_10 = arith.index_cast %get3A_9 : i32 to index
    %get3A_11 = arith.constant 0 : index
    %get3A_12 = tpu.vector_load %arg8[%get3A_10, %get3A_11] {strides = array<i32>} : memref<2x16xf32, #tpu.memory_space<vmem>>, vector<1x16xf32>,
    %get3A_13 = vector.shape_cast %get3A_12 : vector<1x16xf32> to vector<16xf32>
    %get3A_14 = arith.constant 1 : i32
    %get3A_15 = arith.index_cast %get3A_14 : i32 to index
    %get3A_16 = arith.constant 0 : index
    %get3A_17 = tpu.vector_load %arg8[%get3A_15, %get3A_16] {strides = array<i32>} : memref<2x16xf32, #tpu.memory_space<vmem>>, vector<1x16xf32>,
    %get3A_18 = vector.shape_cast %get3A_17 : vector<1x16xf32> to vector<16xf32>
    %mul3A = arith.constant 1 : i32
    %mul3A_19 = arith.muli %arg1, %mul3A : i32
    %add3A = arith.constant 0 : i32
    %add3A_20 = arith.addi %add3A, %mul3A_19 : i32
    %mul3A_21 = arith.constant 16 : i32
    %mul3A_22 = arith.muli %arg0, %mul3A_21 : i32
    %add3A_23 = arith.addi %add3A_20, %mul3A_22 : i32
    %mul3A_24 = arith.constant 4 : i32
    %mul3A_25 = arith.muli %add3A_23, %mul3A_24 : i32
    "tpu.region"() ({
      %run_scoped3A = memref.alloca() : memref<2x16x128xf32, #tpu.memory_space<vmem>>
      %run_scoped3A_26 = tpu.sem_alloc : memref<2x!tpu.dma_semaphore, #tpu.memory_space<semaphore_mem>>
      %run_scoped3A_27 = memref.alloca() : memref<2x8x128xf32, #tpu.memory_space<vmem>>
      %run_scoped3A_28 = tpu.sem_alloc : memref<2x!tpu.dma_semaphore, #tpu.memory_space<semaphore_mem>>
      %run_scoped3A_29 = memref.alloca() : memref<2x16x128xf32, #tpu.memory_space<vmem>>
      %run_scoped3A_30 = tpu.sem_alloc : memref<2x!tpu.dma_semaphore, #tpu.memory_space<semaphore_mem>>
      %add3A_31 = arith.constant 0 : i32
      %add3A_32 = arith.addi %add3A_31, %mul3A_25 : i32
      %select_n3A = arith.constant true
      %select_n3A_33 = arith.constant 0 : i32
      %select_n3A_34 = arith.constant -1 : i32
      %select_n3A_35 = arith.select %select_n3A, %select_n3A_34, %select_n3A_33 : i32
      %eq3A = arith.constant -1 : i32
      %eq3A_36 = arith.cmpi eq, %select_n3A_35, %eq3A : i32
      %select_n3A_37 = arith.constant 3 : i32
      %select_n3A_38 = arith.select %eq3A_36, %select_n3A_37, %select_n3A_35 : i32
      %add3A_39 = arith.addi %select_n3A_38, %mul3A_25 : i32
      %select_n3A_40 = arith.constant true
      %select_n3A_41 = arith.constant 0 : i32
      %select_n3A_42 = arith.constant 1 : i32
      %select_n3A_43 = arith.select %select_n3A_40, %select_n3A_42, %select_n3A_41 : i32
      %eq3A_44 = arith.constant 4 : i32
      %eq3A_45 = arith.cmpi eq, %select_n3A_43, %eq3A_44 : i32
      %select_n3A_46 = arith.constant 0 : i32
      %select_n3A_47 = arith.select %eq3A_45, %select_n3A_46, %select_n3A_43 : i32
      %add3A_48 = arith.addi %select_n3A_47, %mul3A_25 : i32
      %add3A_49 = arith.constant 1 : i32
      %add3A_50 = arith.addi %select_n3A_47, %add3A_49 : i32
      %select_n3A_51 = arith.constant true
      %select_n3A_52 = arith.select %select_n3A_51, %add3A_50, %select_n3A_47 : i32
      %eq3A_53 = arith.constant 4 : i32
      %eq3A_54 = arith.cmpi eq, %select_n3A_52, %eq3A_53 : i32
      %select_n3A_55 = arith.constant 0 : i32
      %select_n3A_56 = arith.select %eq3A_54, %select_n3A_55, %select_n3A_52 : i32
      %add3A_57 = arith.addi %select_n3A_56, %mul3A_25 : i32
      "tpu.trace_start"() <{level = 10 : i32, message = "ep_initialize_0"}> : () -> ()
      %rem3A = arith.constant 0 : i32
      %rem3A_58 = arith.constant 2 : i32
      %rem3A_59 = arith.remui %rem3A, %rem3A_58 : i32
      %add3A_60 = arith.constant 896 : i32
      %add3A_61 = arith.addi %add3A_32, %add3A_60 : i32
      %mul3A_62 = arith.constant 16 : i32
      %mul3A_63 = arith.muli %mul3A_62, %add3A_61 : i32
      %dma_start3A = arith.constant 0 : i32
      %dma_start3A_64 = arith.constant 0 : i32
      %dma_start3A_65 = tpu.memref_slice %run_scoped3A[%rem3A_59, %dma_start3A, %dma_start3A_64] : memref<2x16x128xf32, #tpu.memory_space<vmem>> -> memref<1x16x128xf32, #tpu.memory_space<vmem>>
      %dma_start3A_66 = tpu.memref_squeeze %dma_start3A_65 : memref<1x16x128xf32, #tpu.memory_space<vmem>> -> memref<16x128xf32, #tpu.memory_space<vmem>>
      %dma_start3A_67 = arith.constant 0 : i32
      %dma_start3A_68 = tpu.memref_slice %arg2[%mul3A_63, %dma_start3A_67] : memref<16384x128xf32, #tpu.memory_space<hbm>> -> memref<16x128xf32, #tpu.memory_space<hbm>>
      %dma_start3A_69 = tpu.memref_slice %run_scoped3A_26[%rem3A_59] : memref<2x!tpu.dma_semaphore, #tpu.memory_space<semaphore_mem>> -> memref<1x!tpu.dma_semaphore, #tpu.memory_space<semaphore_mem>>
      %dma_start3A_70 = tpu.memref_squeeze %dma_start3A_69 : memref<1x!tpu.dma_semaphore, #tpu.memory_space<semaphore_mem>> -> memref<!tpu.dma_semaphore, #tpu.memory_space<semaphore_mem>>
      %dma_start3A_71 = arith.constant 0 : i32
      %dma_start3A_72 = arith.constant 0 : i32
      %dma_start3A_73 = tpu.memref_slice %run_scoped3A[%rem3A_59, %dma_start3A_71, %dma_start3A_72] : memref<2x16x128xf32, #tpu.memory_space<vmem>> -> memref<1x16x128xf32, #tpu.memory_space<vmem>>
      %dma_start3A_74 = tpu.memref_squeeze %dma_start3A_73 : memref<1x16x128xf32, #tpu.memory_space<vmem>> -> memref<16x128xf32, #tpu.memory_space<vmem>>
      %dma_start3A_75 = arith.constant 0 : i32
      %dma_start3A_76 = tpu.memref_slice %arg2[%mul3A_63, %dma_start3A_75] : memref<16384x128xf32, #tpu.memory_space<hbm>> -> memref<16x128xf32, #tpu.memory_space<hbm>>
      tpu.enqueue_dma source(%dma_start3A_76 : memref<16x128xf32, #tpu.memory_space<hbm>>) target(%dma_start3A_74 : memref<16x128xf32, #tpu.memory_space<vmem>>) target_semaphore(%dma_start3A_70 : memref<!tpu.dma_semaphore, #tpu.memory_space<semaphore_mem>>)
      %add3A_77 = arith.constant 0 : i32
      %add3A_78 = arith.constant 1 : i32
      %add3A_79 = arith.addi %add3A_77, %add3A_78 : i32
      %select_n3A_80 = arith.constant true
      %select_n3A_81 = arith.constant 0 : i32
      %select_n3A_82 = arith.select %select_n3A_80, %add3A_79, %select_n3A_81 : i32
      %rem3A_83 = arith.constant 0 : i32
      %rem3A_84 = arith.constant 2 : i32
      %rem3A_85 = arith.remui %rem3A_83, %rem3A_84 : i32
      %add3A_86 = arith.constant 896 : i32
      %add3A_87 = arith.addi %add3A_32, %add3A_86 : i32
      %mul3A_88 = arith.constant 8 : i32
      %mul3A_89 = arith.muli %mul3A_88, %add3A_87 : i32
      %dma_start3A_90 = arith.constant 0 : i32
      %dma_start3A_91 = arith.constant 0 : i32
      %dma_start3A_92 = tpu.memref_slice %run_scoped3A_27[%rem3A_85, %dma_start3A_90, %dma_start3A_91] : memref<2x8x128xf32, #tpu.memory_space<vmem>> -> memref<1x8x128xf32, #tpu.memory_space<vmem>>
      %dma_start3A_93 = tpu.memref_squeeze %dma_start3A_92 : memref<1x8x128xf32, #tpu.memory_space<vmem>> -> memref<8x128xf32, #tpu.memory_space<vmem>>
      %dma_start3A_94 = arith.constant 0 : i32
      %dma_start3A_95 = tpu.memref_slice %arg3[%mul3A_89, %dma_start3A_94] : memref<8192x128xf32, #tpu.memory_space<hbm>> -> memref<8x128xf32, #tpu.memory_space<hbm>>
      %dma_start3A_96 = tpu.memref_slice %run_scoped3A_28[%rem3A_85] : memref<2x!tpu.dma_semaphore, #tpu.memory_space<semaphore_mem>> -> memref<1x!tpu.dma_semaphore, #tpu.memory_space<semaphore_mem>>
      %dma_start3A_97 = tpu.memref_squeeze %dma_start3A_96 : memref<1x!tpu.dma_semaphore, #tpu.memory_space<semaphore_mem>> -> memref<!tpu.dma_semaphore, #tpu.memory_space<semaphore_mem>>
      %dma_start3A_98 = arith.constant 0 : i32
      %dma_start3A_99 = arith.constant 0 : i32
      %dma_start3A_100 = tpu.memref_slice %run_scoped3A_27[%rem3A_85, %dma_start3A_98, %dma_start3A_99] : memref<2x8x128xf32, #tpu.memory_space<vmem>> -> memref<1x8x128xf32, #tpu.memory_space<vmem>>
      %dma_start3A_101 = tpu.memref_squeeze %dma_start3A_100 : memref<1x8x128xf32, #tpu.memory_space<vmem>> -> memref<8x128xf32, #tpu.memory_space<vmem>>
      %dma_start3A_102 = arith.constant 0 : i32
      %dma_start3A_103 = tpu.memref_slice %arg3[%mul3A_89, %dma_start3A_102] : memref<8192x128xf32, #tpu.memory_space<hbm>> -> memref<8x128xf32, #tpu.memory_space<hbm>>
      tpu.enqueue_dma source(%dma_start3A_103 : memref<8x128xf32, #tpu.memory_space<hbm>>) target(%dma_start3A_101 : memref<8x128xf32, #tpu.memory_space<vmem>>) target_semaphore(%dma_start3A_97 : memref<!tpu.dma_semaphore, #tpu.memory_space<semaphore_mem>>)
      %add3A_104 = arith.constant 0 : i32
      %add3A_105 = arith.constant 1 : i32
      %add3A_106 = arith.addi %add3A_104, %add3A_105 : i32
      %select_n3A_107 = arith.constant true
      %select_n3A_108 = arith.constant 0 : i32
      %select_n3A_109 = arith.select %select_n3A_107, %add3A_106, %select_n3A_108 : i32
      "tpu.trace_stop"() : () -> ()
      %scan3A = arith.constant 0 : i32
      %scan3A_110 = arith.constant 0 : i32
      %scan3A_111 = arith.constant 0 : i32
      %scan3A_112 = arith.constant 0 : i32
      %scan3A_113 = arith.constant 0 : i32
      %scan3A_114 = arith.constant 0 : i32
      %scan3A_115 = arith.constant 4 : i32
      %scan3A_116 = arith.addi %scan3A_114, %scan3A_115 : i32
      %scan3A_117 = arith.constant 1 : i32
      %scan3A_118:7 = scf.for %scan3A_172 = %scan3A_114 to %scan3A_116 step %scan3A_117 iter_args(%scan3A_173 = %select_n3A_82, %scan3A_174 = %scan3A, %scan3A_175 = %select_n3A_109, %scan3A_176 = %scan3A_110, %scan3A_177 = %scan3A_111, %scan3A_178 = %scan3A_112, %scan3A_179 = %scan3A_113) -> (i32, i32, i32, i32, i32, i32, i32)  : i32 {
        %eq3A_180 = arith.constant 0 : i32
        %eq3A_181 = arith.cmpi eq, %scan3A_172, %eq3A_180 : i32
        %eq3A_182 = arith.constant 3 : i32
        %eq3A_183 = arith.cmpi eq, %scan3A_172, %eq3A_182 : i32
        %add3A_184 = arith.addi %scan3A_179, %mul3A_25 : i32
        %sub3A_185 = arith.constant 1 : i32
        %sub3A_186 = arith.subi %scan3A_179, %sub3A_185 : i32
        %select_n3A_187 = arith.constant true
        %select_n3A_188 = arith.select %select_n3A_187, %sub3A_186, %scan3A_179 : i32
        %eq3A_189 = arith.constant -1 : i32
        %eq3A_190 = arith.cmpi eq, %select_n3A_188, %eq3A_189 : i32
        %select_n3A_191 = arith.constant 3 : i32
        %select_n3A_192 = arith.select %eq3A_190, %select_n3A_191, %select_n3A_188 : i32
        %add3A_193 = arith.addi %select_n3A_192, %mul3A_25 : i32
        %add3A_194 = arith.constant 1 : i32
        %add3A_195 = arith.addi %scan3A_179, %add3A_194 : i32
        %select_n3A_196 = arith.constant true
        %select_n3A_197 = arith.select %select_n3A_196, %add3A_195, %scan3A_179 : i32
        %eq3A_198 = arith.constant 4 : i32
        %eq3A_199 = arith.cmpi eq, %select_n3A_197, %eq3A_198 : i32
        %select_n3A_200 = arith.constant 0 : i32
        %select_n3A_201 = arith.select %eq3A_199, %select_n3A_200, %select_n3A_197 : i32
        %add3A_202 = arith.addi %select_n3A_201, %mul3A_25 : i32
        %add3A_203 = arith.constant 1 : i32
        %add3A_204 = arith.addi %select_n3A_201, %add3A_203 : i32
        %select_n3A_205 = arith.constant true
        %select_n3A_206 = arith.select %select_n3A_205, %add3A_204, %select_n3A_201 : i32
        %eq3A_207 = arith.constant 4 : i32
        %eq3A_208 = arith.cmpi eq, %select_n3A_206, %eq3A_207 : i32
        %select_n3A_209 = arith.constant 0 : i32
        %select_n3A_210 = arith.select %eq3A_208, %select_n3A_209, %select_n3A_206 : i32
        %add3A_211 = arith.addi %select_n3A_210, %mul3A_25 : i32
        %add3A_212 = arith.constant 896 : i32
        %add3A_213 = arith.addi %add3A_184, %add3A_212 : i32
        %add3A_214 = arith.constant 896 : i32
        %add3A_215 = arith.addi %add3A_202, %add3A_214 : i32
        %ne3A = arith.cmpi ne, %add3A_213, %add3A_215 : i32
        %or3A = arith.constant false
        %or3A_216 = arith.ori %or3A, %ne3A : i1
        %or3A_217 = arith.constant false
        %or3A_218 = arith.ori %or3A_216, %or3A_217 : i1
        %ge3A = arith.constant 3 : i32
        %ge3A_219 = arith.cmpi sge, %scan3A_172, %ge3A : i32
        %not3A = arith.constant true
        %not3A_220 = arith.xori %ge3A_219, %not3A : i1
        %and3A = arith.andi %or3A_218, %not3A_220 : i1
        %convert_element_type3A = arith.extui %and3A : i1 to i32
        %cond3A = arith.constant 0 : i32
        %cond3A_221 = arith.cmpi ne, %convert_element_type3A, %cond3A : i32
        scf.if %cond3A_221 {
          "tpu.trace_start"() <{level = 10 : i32, message = "ep_copy_in"}> : () -> ()
          %rem3A_433 = arith.constant 2 : i32
          %rem3A_434 = arith.remui %scan3A_173, %rem3A_433 : i32
          %add3A_435 = arith.constant 896 : i32
          %add3A_436 = arith.addi %add3A_202, %add3A_435 : i32
          %mul3A_437 = arith.constant 16 : i32
          %mul3A_438 = arith.muli %mul3A_437, %add3A_436 : i32
          %dma_start3A_439 = arith.constant 0 : i32
          %dma_start3A_440 = arith.constant 0 : i32
          %dma_start3A_441 = tpu.memref_slice %run_scoped3A[%rem3A_434, %dma_start3A_439, %dma_start3A_440] : memref<2x16x128xf32, #tpu.memory_space<vmem>> -> memref<1x16x128xf32, #tpu.memory_space<vmem>>
          %dma_start3A_442 = tpu.memref_squeeze %dma_start3A_441 : memref<1x16x128xf32, #tpu.memory_space<vmem>> -> memref<16x128xf32, #tpu.memory_space<vmem>>
          %dma_start3A_443 = arith.constant 0 : i32
          %dma_start3A_444 = tpu.memref_slice %arg2[%mul3A_438, %dma_start3A_443] : memref<16384x128xf32, #tpu.memory_space<hbm>> -> memref<16x128xf32, #tpu.memory_space<hbm>>
          %dma_start3A_445 = tpu.memref_slice %run_scoped3A_26[%rem3A_434] : memref<2x!tpu.dma_semaphore, #tpu.memory_space<semaphore_mem>> -> memref<1x!tpu.dma_semaphore, #tpu.memory_space<semaphore_mem>>
          %dma_start3A_446 = tpu.memref_squeeze %dma_start3A_445 : memref<1x!tpu.dma_semaphore, #tpu.memory_space<semaphore_mem>> -> memref<!tpu.dma_semaphore, #tpu.memory_space<semaphore_mem>>
          %dma_start3A_447 = arith.constant 0 : i32
          %dma_start3A_448 = arith.constant 0 : i32
          %dma_start3A_449 = tpu.memref_slice %run_scoped3A[%rem3A_434, %dma_start3A_447, %dma_start3A_448] : memref<2x16x128xf32, #tpu.memory_space<vmem>> -> memref<1x16x128xf32, #tpu.memory_space<vmem>>
          %dma_start3A_450 = tpu.memref_squeeze %dma_start3A_449 : memref<1x16x128xf32, #tpu.memory_space<vmem>> -> memref<16x128xf32, #tpu.memory_space<vmem>>
          %dma_start3A_451 = arith.constant 0 : i32
          %dma_start3A_452 = tpu.memref_slice %arg2[%mul3A_438, %dma_start3A_451] : memref<16384x128xf32, #tpu.memory_space<hbm>> -> memref<16x128xf32, #tpu.memory_space<hbm>>
          tpu.enqueue_dma source(%dma_start3A_452 : memref<16x128xf32, #tpu.memory_space<hbm>>) target(%dma_start3A_450 : memref<16x128xf32, #tpu.memory_space<vmem>>) target_semaphore(%dma_start3A_446 : memref<!tpu.dma_semaphore, #tpu.memory_space<semaphore_mem>>)
          "tpu.trace_stop"() : () -> ()
        } else {
        }
        %and3A_222 = arith.constant true
        %and3A_223 = arith.andi %and3A, %and3A_222 : i1
        %add3A_224 = arith.constant 1 : i32
        %add3A_225 = arith.addi %scan3A_173, %add3A_224 : i32
        %select_n3A_226 = arith.select %and3A_223, %add3A_225, %scan3A_173 : i32
        %add3A_227 = arith.constant 896 : i32
        %add3A_228 = arith.addi %add3A_184, %add3A_227 : i32
        %add3A_229 = arith.constant 896 : i32
        %add3A_230 = arith.addi %add3A_202, %add3A_229 : i32
        %ne3A_231 = arith.cmpi ne, %add3A_228, %add3A_230 : i32
        %or3A_232 = arith.constant false
        %or3A_233 = arith.ori %or3A_232, %ne3A_231 : i1
        %or3A_234 = arith.constant false
        %or3A_235 = arith.ori %or3A_233, %or3A_234 : i1
        %ge3A_236 = arith.constant 3 : i32
        %ge3A_237 = arith.cmpi sge, %scan3A_172, %ge3A_236 : i32
        %not3A_238 = arith.constant true
        %not3A_239 = arith.xori %ge3A_237, %not3A_238 : i1
        %and3A_240 = arith.andi %or3A_235, %not3A_239 : i1
        %convert_element_type3A_241 = arith.extui %and3A_240 : i1 to i32
        %cond3A_242 = arith.constant 0 : i32
        %cond3A_243 = arith.cmpi ne, %convert_element_type3A_241, %cond3A_242 : i32
        scf.if %cond3A_243 {
          "tpu.trace_start"() <{level = 10 : i32, message = "ep_copy_in"}> : () -> ()
          %rem3A_433 = arith.constant 2 : i32
          %rem3A_434 = arith.remui %scan3A_175, %rem3A_433 : i32
          %add3A_435 = arith.constant 896 : i32
          %add3A_436 = arith.addi %add3A_202, %add3A_435 : i32
          %mul3A_437 = arith.constant 8 : i32
          %mul3A_438 = arith.muli %mul3A_437, %add3A_436 : i32
          %dma_start3A_439 = arith.constant 0 : i32
          %dma_start3A_440 = arith.constant 0 : i32
          %dma_start3A_441 = tpu.memref_slice %run_scoped3A_27[%rem3A_434, %dma_start3A_439, %dma_start3A_440] : memref<2x8x128xf32, #tpu.memory_space<vmem>> -> memref<1x8x128xf32, #tpu.memory_space<vmem>>
          %dma_start3A_442 = tpu.memref_squeeze %dma_start3A_441 : memref<1x8x128xf32, #tpu.memory_space<vmem>> -> memref<8x128xf32, #tpu.memory_space<vmem>>
          %dma_start3A_443 = arith.constant 0 : i32
          %dma_start3A_444 = tpu.memref_slice %arg3[%mul3A_438, %dma_start3A_443] : memref<8192x128xf32, #tpu.memory_space<hbm>> -> memref<8x128xf32, #tpu.memory_space<hbm>>
          %dma_start3A_445 = tpu.memref_slice %run_scoped3A_28[%rem3A_434] : memref<2x!tpu.dma_semaphore, #tpu.memory_space<semaphore_mem>> -> memref<1x!tpu.dma_semaphore, #tpu.memory_space<semaphore_mem>>
          %dma_start3A_446 = tpu.memref_squeeze %dma_start3A_445 : memref<1x!tpu.dma_semaphore, #tpu.memory_space<semaphore_mem>> -> memref<!tpu.dma_semaphore, #tpu.memory_space<semaphore_mem>>
          %dma_start3A_447 = arith.constant 0 : i32
          %dma_start3A_448 = arith.constant 0 : i32
          %dma_start3A_449 = tpu.memref_slice %run_scoped3A_27[%rem3A_434, %dma_start3A_447, %dma_start3A_448] : memref<2x8x128xf32, #tpu.memory_space<vmem>> -> memref<1x8x128xf32, #tpu.memory_space<vmem>>
          %dma_start3A_450 = tpu.memref_squeeze %dma_start3A_449 : memref<1x8x128xf32, #tpu.memory_space<vmem>> -> memref<8x128xf32, #tpu.memory_space<vmem>>
          %dma_start3A_451 = arith.constant 0 : i32
          %dma_start3A_452 = tpu.memref_slice %arg3[%mul3A_438, %dma_start3A_451] : memref<8192x128xf32, #tpu.memory_space<hbm>> -> memref<8x128xf32, #tpu.memory_space<hbm>>
          tpu.enqueue_dma source(%dma_start3A_452 : memref<8x128xf32, #tpu.memory_space<hbm>>) target(%dma_start3A_450 : memref<8x128xf32, #tpu.memory_space<vmem>>) target_semaphore(%dma_start3A_446 : memref<!tpu.dma_semaphore, #tpu.memory_space<semaphore_mem>>)
          "tpu.trace_stop"() : () -> ()
        } else {
        }
        %and3A_244 = arith.constant true
        %and3A_245 = arith.andi %and3A_240, %and3A_244 : i1
        %add3A_246 = arith.constant 1 : i32
        %add3A_247 = arith.addi %scan3A_175, %add3A_246 : i32
        %select_n3A_248 = arith.select %and3A_245, %add3A_247, %scan3A_175 : i32
        %ne3A_249 = arith.cmpi ne, %add3A_184, %add3A_202 : i32
        %or3A_250 = arith.constant false
        %or3A_251 = arith.ori %or3A_250, %ne3A_249 : i1
        %or3A_252 = arith.constant false
        %or3A_253 = arith.ori %or3A_251, %or3A_252 : i1
        %ge3A_254 = arith.constant 3 : i32
        %ge3A_255 = arith.cmpi sge, %scan3A_172, %ge3A_254 : i32
        %not3A_256 = arith.constant true
        %not3A_257 = arith.xori %ge3A_255, %not3A_256 : i1
        %and3A_258 = arith.andi %or3A_253, %not3A_257 : i1
        %add3A_259 = arith.constant 896 : i32
        %add3A_260 = arith.addi %add3A_184, %add3A_259 : i32
        %add3A_261 = arith.constant 896 : i32
        %add3A_262 = arith.addi %add3A_193, %add3A_261 : i32
        %ne3A_263 = arith.cmpi ne, %add3A_260, %add3A_262 : i32
        %or3A_264 = arith.constant false
        %or3A_265 = arith.ori %or3A_264, %ne3A_263 : i1
        %or3A_266 = arith.constant false
        %or3A_267 = arith.ori %or3A_265, %or3A_266 : i1
        %or3A_268 = arith.ori %or3A_267, %eq3A_181 : i1
        %convert_element_type3A_269 = arith.extui %or3A_268 : i1 to i32
        %cond3A_270 = arith.constant 0 : i32
        %cond3A_271 = arith.cmpi ne, %convert_element_type3A_269, %cond3A_270 : i32
        scf.if %cond3A_271 {
          "tpu.trace_start"() <{level = 10 : i32, message = "ep_wait_in"}> : () -> ()
          %add3A_433 = arith.constant 896 : i32
          %add3A_434 = arith.addi %add3A_184, %add3A_433 : i32
          %mul3A_435 = arith.constant 16 : i32
          %mul3A_436 = arith.muli %mul3A_435, %add3A_434 : i32
          %rem3A_437 = arith.constant 2 : i32
          %rem3A_438 = arith.remui %scan3A_174, %rem3A_437 : i32
          %dma_wait3A_439 = arith.constant 0 : i32
          %dma_wait3A_440 = arith.constant 0 : i32
          %dma_wait3A_441 = tpu.memref_slice %run_scoped3A[%rem3A_438, %dma_wait3A_439, %dma_wait3A_440] : memref<2x16x128xf32, #tpu.memory_space<vmem>> -> memref<1x16x128xf32, #tpu.memory_space<vmem>>
          %dma_wait3A_442 = tpu.memref_squeeze %dma_wait3A_441 : memref<1x16x128xf32, #tpu.memory_space<vmem>> -> memref<16x128xf32, #tpu.memory_space<vmem>>
          %dma_wait3A_443 = arith.constant 0 : i32
          %dma_wait3A_444 = tpu.memref_slice %arg2[%mul3A_436, %dma_wait3A_443] : memref<16384x128xf32, #tpu.memory_space<hbm>> -> memref<16x128xf32, #tpu.memory_space<hbm>>
          %dma_wait3A_445 = tpu.memref_slice %run_scoped3A_26[%rem3A_438] : memref<2x!tpu.dma_semaphore, #tpu.memory_space<semaphore_mem>> -> memref<1x!tpu.dma_semaphore, #tpu.memory_space<semaphore_mem>>
          %dma_wait3A_446 = tpu.memref_squeeze %dma_wait3A_445 : memref<1x!tpu.dma_semaphore, #tpu.memory_space<semaphore_mem>> -> memref<!tpu.dma_semaphore, #tpu.memory_space<semaphore_mem>>
          %dma_wait3A_447 = arith.constant 0 : i32
          %dma_wait3A_448 = arith.constant 0 : i32
          %dma_wait3A_449 = tpu.memref_slice %run_scoped3A[%rem3A_438, %dma_wait3A_447, %dma_wait3A_448] : memref<2x16x128xf32, #tpu.memory_space<vmem>> -> memref<1x16x128xf32, #tpu.memory_space<vmem>>
          %dma_wait3A_450 = tpu.memref_squeeze %dma_wait3A_449 : memref<1x16x128xf32, #tpu.memory_space<vmem>> -> memref<16x128xf32, #tpu.memory_space<vmem>>
          %dma_wait3A_451 = arith.constant 0 : i32
          %dma_wait3A_452 = tpu.memref_slice %arg2[%mul3A_436, %dma_wait3A_451] : memref<16384x128xf32, #tpu.memory_space<hbm>> -> memref<16x128xf32, #tpu.memory_space<hbm>>
          tpu.wait_dma2 semaphore(%dma_wait3A_446 : memref<!tpu.dma_semaphore, #tpu.memory_space<semaphore_mem>>) src(%dma_wait3A_452 : memref<16x128xf32, #tpu.memory_space<hbm>>) dst(%dma_wait3A_450 : memref<16x128xf32, #tpu.memory_space<vmem>>)
          "tpu.trace_stop"() : () -> ()
        } else {
        }
        %add3A_272 = arith.constant 896 : i32
        %add3A_273 = arith.addi %add3A_184, %add3A_272 : i32
        %add3A_274 = arith.constant 896 : i32
        %add3A_275 = arith.addi %add3A_193, %add3A_274 : i32
        %ne3A_276 = arith.cmpi ne, %add3A_273, %add3A_275 : i32
        %or3A_277 = arith.constant false
        %or3A_278 = arith.ori %or3A_277, %ne3A_276 : i1
        %or3A_279 = arith.constant false
        %or3A_280 = arith.ori %or3A_278, %or3A_279 : i1
        %or3A_281 = arith.ori %or3A_280, %eq3A_181 : i1
        %convert_element_type3A_282 = arith.extui %or3A_281 : i1 to i32
        %cond3A_283 = arith.constant 0 : i32
        %cond3A_284 = arith.cmpi ne, %convert_element_type3A_282, %cond3A_283 : i32
        scf.if %cond3A_284 {
          "tpu.trace_start"() <{level = 10 : i32, message = "ep_wait_in"}> : () -> ()
          %add3A_433 = arith.constant 896 : i32
          %add3A_434 = arith.addi %add3A_184, %add3A_433 : i32
          %mul3A_435 = arith.constant 8 : i32
          %mul3A_436 = arith.muli %mul3A_435, %add3A_434 : i32
          %rem3A_437 = arith.constant 2 : i32
          %rem3A_438 = arith.remui %scan3A_176, %rem3A_437 : i32
          %dma_wait3A_439 = arith.constant 0 : i32
          %dma_wait3A_440 = arith.constant 0 : i32
          %dma_wait3A_441 = tpu.memref_slice %run_scoped3A_27[%rem3A_438, %dma_wait3A_439, %dma_wait3A_440] : memref<2x8x128xf32, #tpu.memory_space<vmem>> -> memref<1x8x128xf32, #tpu.memory_space<vmem>>
          %dma_wait3A_442 = tpu.memref_squeeze %dma_wait3A_441 : memref<1x8x128xf32, #tpu.memory_space<vmem>> -> memref<8x128xf32, #tpu.memory_space<vmem>>
          %dma_wait3A_443 = arith.constant 0 : i32
          %dma_wait3A_444 = tpu.memref_slice %arg3[%mul3A_436, %dma_wait3A_443] : memref<8192x128xf32, #tpu.memory_space<hbm>> -> memref<8x128xf32, #tpu.memory_space<hbm>>
          %dma_wait3A_445 = tpu.memref_slice %run_scoped3A_28[%rem3A_438] : memref<2x!tpu.dma_semaphore, #tpu.memory_space<semaphore_mem>> -> memref<1x!tpu.dma_semaphore, #tpu.memory_space<semaphore_mem>>
          %dma_wait3A_446 = tpu.memref_squeeze %dma_wait3A_445 : memref<1x!tpu.dma_semaphore, #tpu.memory_space<semaphore_mem>> -> memref<!tpu.dma_semaphore, #tpu.memory_space<semaphore_mem>>
          %dma_wait3A_447 = arith.constant 0 : i32
          %dma_wait3A_448 = arith.constant 0 : i32
          %dma_wait3A_449 = tpu.memref_slice %run_scoped3A_27[%rem3A_438, %dma_wait3A_447, %dma_wait3A_448] : memref<2x8x128xf32, #tpu.memory_space<vmem>> -> memref<1x8x128xf32, #tpu.memory_space<vmem>>
          %dma_wait3A_450 = tpu.memref_squeeze %dma_wait3A_449 : memref<1x8x128xf32, #tpu.memory_space<vmem>> -> memref<8x128xf32, #tpu.memory_space<vmem>>
          %dma_wait3A_451 = arith.constant 0 : i32
          %dma_wait3A_452 = tpu.memref_slice %arg3[%mul3A_436, %dma_wait3A_451] : memref<8192x128xf32, #tpu.memory_space<hbm>> -> memref<8x128xf32, #tpu.memory_space<hbm>>
          tpu.wait_dma2 semaphore(%dma_wait3A_446 : memref<!tpu.dma_semaphore, #tpu.memory_space<semaphore_mem>>) src(%dma_wait3A_452 : memref<8x128xf32, #tpu.memory_space<hbm>>) dst(%dma_wait3A_450 : memref<8x128xf32, #tpu.memory_space<vmem>>)
          "tpu.trace_stop"() : () -> ()
        } else {
        }
        %ne3A_285 = arith.cmpi ne, %add3A_184, %add3A_193 : i32
        %or3A_286 = arith.constant false
        %or3A_287 = arith.ori %or3A_286, %ne3A_285 : i1
        %or3A_288 = arith.constant false
        %or3A_289 = arith.ori %or3A_287, %or3A_288 : i1
        %or3A_290 = arith.ori %or3A_289, %eq3A_181 : i1
        %convert_element_type3A_291 = arith.extui %or3A_290 : i1 to i32
        %cond3A_292 = arith.constant 0 : i32
        %cond3A_293 = arith.cmpi ne, %convert_element_type3A_291, %cond3A_292 : i32
        scf.if %cond3A_293 {
        } else {
        }
        %rem3A_294 = arith.constant 2 : i32
        %rem3A_295 = arith.remui %scan3A_174, %rem3A_294 : i32
        %rem3A_296 = arith.constant 2 : i32
        %rem3A_297 = arith.remui %scan3A_176, %rem3A_296 : i32
        %rem3A_298 = arith.constant 2 : i32
        %rem3A_299 = arith.remui %scan3A_177, %rem3A_298 : i32
        "tpu.trace_start"() <{level = 10 : i32, message = "ep_run_kernel"}> : () -> ()
        %scan3A_300 = arith.constant 0 : i32
        %scan3A_301 = arith.constant 8 : i32
        %scan3A_302 = arith.addi %scan3A_300, %scan3A_301 : i32
        %scan3A_303 = arith.constant 1 : i32
        scf.for %scan3A_433 = %scan3A_300 to %scan3A_302 step %scan3A_303  : i32 {
          %mul3A_434 = arith.constant 1 : i32
          %mul3A_435 = arith.muli %scan3A_433, %mul3A_434 : i32
          %add3A_436 = arith.constant 0 : i32
          %add3A_437 = arith.addi %add3A_436, %mul3A_435 : i32
          %scan3A_438 = arith.constant 0 : i32
          %scan3A_439 = arith.constant 8 : i32
          %scan3A_440 = arith.addi %scan3A_438, %scan3A_439 : i32
          %scan3A_441 = arith.constant 1 : i32
          scf.for %scan3A_443 = %scan3A_438 to %scan3A_440 step %scan3A_441  : i32 {
            %mul3A_444 = arith.constant 16 : i32
            %mul3A_445 = arith.muli %scan3A_443, %mul3A_444 : i32
            %add3A_446 = arith.constant 0 : i32
            %add3A_447 = arith.addi %add3A_446, %mul3A_445 : i32
            %mul3A_448 = arith.constant 2 : i32
            %mul3A_449 = arith.muli %mul3A_448, %add3A_437 : i32
            %get3A_450 = arith.constant 0 : i32
            %get3A_451 = arith.constant 0 : i32
            %get3A_452 = tpu.memref_slice %run_scoped3A[%rem3A_295, %get3A_450, %get3A_451] : memref<2x16x128xf32, #tpu.memory_space<vmem>> -> memref<1x16x128xf32, #tpu.memory_space<vmem>>
            %get3A_453 = tpu.memref_squeeze %get3A_452 : memref<1x16x128xf32, #tpu.memory_space<vmem>> -> memref<16x128xf32, #tpu.memory_space<vmem>>
            %get3A_454 = arith.index_cast %mul3A_449 : i32 to index
            %get3A_455 = arith.index_cast %add3A_447 : i32 to index
            %get3A_456 = tpu.vector_load %get3A_453[%get3A_454, %get3A_455] {strides = array<i32>} : memref<16x128xf32, #tpu.memory_space<vmem>>, vector<1x16xf32>,
            %get3A_457 = vector.shape_cast %get3A_456 : vector<1x16xf32> to vector<16xf32>
            %mul3A_458 = arith.constant 2 : i32
            %mul3A_459 = arith.muli %mul3A_458, %add3A_437 : i32
            %add3A_460 = arith.constant 1 : i32
            %add3A_461 = arith.addi %mul3A_459, %add3A_460 : i32
            %get3A_462 = arith.constant 0 : i32
            %get3A_463 = arith.constant 0 : i32
            %get3A_464 = tpu.memref_slice %run_scoped3A[%rem3A_295, %get3A_462, %get3A_463] : memref<2x16x128xf32, #tpu.memory_space<vmem>> -> memref<1x16x128xf32, #tpu.memory_space<vmem>>
            %get3A_465 = tpu.memref_squeeze %get3A_464 : memref<1x16x128xf32, #tpu.memory_space<vmem>> -> memref<16x128xf32, #tpu.memory_space<vmem>>
            %get3A_466 = arith.index_cast %add3A_461 : i32 to index
            %get3A_467 = arith.index_cast %add3A_447 : i32 to index
            %get3A_468 = tpu.vector_load %get3A_465[%get3A_466, %get3A_467] {strides = array<i32>} : memref<16x128xf32, #tpu.memory_space<vmem>>, vector<1x16xf32>,
            %get3A_469 = vector.shape_cast %get3A_468 : vector<1x16xf32> to vector<16xf32>
            %mul3A_470 = arith.mulf %get3A_3, %get3A_457 : vector<16xf32>
            %add3A_471 = arith.addf %mul3A_470, %get3A_13 : vector<16xf32>
            %mul3A_472 = arith.mulf %get3A_8, %get3A_469 : vector<16xf32>
            %add3A_473 = arith.addf %mul3A_472, %get3A_18 : vector<16xf32>
            %mul3A_474 = arith.mulf %add3A_471, %add3A_471 : vector<16xf32>
            %mul3A_475 = arith.mulf %add3A_473, %add3A_473 : vector<16xf32>
            %add3A_476 = arith.addf %mul3A_474, %mul3A_475 : vector<16xf32>
            %mul3A_477 = arith.constant 5.000000e-01 : f32
            %mul3A_478 = vector.broadcast %mul3A_477 : f32 to vector<16xf32>
            %mul3A_479 = arith.mulf %mul3A_478, %add3A_476 : vector<16xf32>
            %sub3A_480 = arith.constant -1.83787704 : f32
            %sub3A_481 = vector.broadcast %sub3A_480 : f32 to vector<16xf32>
            %sub3A_482 = arith.subf %sub3A_481, %mul3A_479 : vector<16xf32>
            %sub3A_483 = arith.constant -1.83787704 : f32
            %sub3A_484 = vector.broadcast %sub3A_483 : f32 to vector<16xf32>
            %sub3A_485 = arith.subf %sub3A_482, %sub3A_484 : vector<16xf32>
            %exp3A = math.exp %sub3A_485 : vector<16xf32>
            %get3A_486 = arith.constant 0 : i32
            %get3A_487 = arith.constant 0 : i32
            %get3A_488 = tpu.memref_slice %run_scoped3A_27[%rem3A_297, %get3A_486, %get3A_487] : memref<2x8x128xf32, #tpu.memory_space<vmem>> -> memref<1x8x128xf32, #tpu.memory_space<vmem>>
            %get3A_489 = tpu.memref_squeeze %get3A_488 : memref<1x8x128xf32, #tpu.memory_space<vmem>> -> memref<8x128xf32, #tpu.memory_space<vmem>>
            %get3A_490 = arith.index_cast %add3A_437 : i32 to index
            %get3A_491 = arith.index_cast %add3A_447 : i32 to index
            %get3A_492 = tpu.vector_load %get3A_489[%get3A_490, %get3A_491] {strides = array<i32>} : memref<8x128xf32, #tpu.memory_space<vmem>>, vector<1x16xf32>,
            %get3A_493 = vector.shape_cast %get3A_492 : vector<1x16xf32> to vector<16xf32>
            %gt3A = arith.cmpf ogt, %exp3A, %get3A_493 : vector<16xf32>
            %broadcast_in_dim3A = arith.constant 0.000000e+00 : f32
            %broadcast_in_dim3A_494 = vector.broadcast %broadcast_in_dim3A : f32 to vector<16xf32>
            %select_n3A_495 = arith.select %gt3A, %add3A_471, %broadcast_in_dim3A_494 : vector<16xi1>, vector<16xf32>
            %mul3A_496 = arith.constant 2 : i32
            %mul3A_497 = arith.muli %mul3A_496, %add3A_437 : i32
            %swap3A = arith.constant 0 : i32
            %swap3A_498 = arith.constant 0 : i32
            %swap3A_499 = tpu.memref_slice %run_scoped3A_29[%rem3A_299, %swap3A, %swap3A_498] : memref<2x16x128xf32, #tpu.memory_space<vmem>> -> memref<1x16x128xf32, #tpu.memory_space<vmem>>
            %swap3A_500 = tpu.memref_squeeze %swap3A_499 : memref<1x16x128xf32, #tpu.memory_space<vmem>> -> memref<16x128xf32, #tpu.memory_space<vmem>>
            %swap3A_501 = arith.index_cast %mul3A_497 : i32 to index
            %swap3A_502 = arith.index_cast %add3A_447 : i32 to index
            %swap3A_503 = tpu.vector_load %swap3A_500[%swap3A_501, %swap3A_502] {strides = array<i32>} : memref<16x128xf32, #tpu.memory_space<vmem>>, vector<1x16xf32>,
            %swap3A_504 = vector.shape_cast %swap3A_503 : vector<1x16xf32> to vector<16xf32>
            %swap3A_505 = vector.shape_cast %select_n3A_495 : vector<16xf32> to vector<1x16xf32>
            tpu.vector_store %swap3A_500[%swap3A_501, %swap3A_502], %swap3A_505 {strides = array<i32>} : memref<16x128xf32, #tpu.memory_space<vmem>>, vector<1x16xf32>,
            %select_n3A_506 = arith.select %gt3A, %add3A_473, %broadcast_in_dim3A_494 : vector<16xi1>, vector<16xf32>
            %mul3A_507 = arith.constant 2 : i32
            %mul3A_508 = arith.muli %mul3A_507, %add3A_437 : i32
            %add3A_509 = arith.constant 1 : i32
            %add3A_510 = arith.addi %mul3A_508, %add3A_509 : i32
            %swap3A_511 = arith.constant 0 : i32
            %swap3A_512 = arith.constant 0 : i32
            %swap3A_513 = tpu.memref_slice %run_scoped3A_29[%rem3A_299, %swap3A_511, %swap3A_512] : memref<2x16x128xf32, #tpu.memory_space<vmem>> -> memref<1x16x128xf32, #tpu.memory_space<vmem>>
            %swap3A_514 = tpu.memref_squeeze %swap3A_513 : memref<1x16x128xf32, #tpu.memory_space<vmem>> -> memref<16x128xf32, #tpu.memory_space<vmem>>
            %swap3A_515 = arith.index_cast %add3A_510 : i32 to index
            %swap3A_516 = arith.index_cast %add3A_447 : i32 to index
            %swap3A_517 = tpu.vector_load %swap3A_514[%swap3A_515, %swap3A_516] {strides = array<i32>} : memref<16x128xf32, #tpu.memory_space<vmem>>, vector<1x16xf32>,
            %swap3A_518 = vector.shape_cast %swap3A_517 : vector<1x16xf32> to vector<16xf32>
            %swap3A_519 = vector.shape_cast %select_n3A_506 : vector<16xf32> to vector<1x16xf32>
            tpu.vector_store %swap3A_514[%swap3A_515, %swap3A_516], %swap3A_519 {strides = array<i32>} : memref<16x128xf32, #tpu.memory_space<vmem>>, vector<1x16xf32>,
          }
          %scan3A_442 = arith.constant 8 : i32
        }
        %scan3A_304 = arith.constant 8 : i32
        "tpu.trace_stop"() : () -> ()
        %add3A_305 = arith.constant 896 : i32
        %add3A_306 = arith.addi %add3A_184, %add3A_305 : i32
        %add3A_307 = arith.constant 896 : i32
        %add3A_308 = arith.addi %add3A_202, %add3A_307 : i32
        %ne3A_309 = arith.cmpi ne, %add3A_306, %add3A_308 : i32
        %or3A_310 = arith.constant false
        %or3A_311 = arith.ori %or3A_310, %ne3A_309 : i1
        %or3A_312 = arith.constant false
        %or3A_313 = arith.ori %or3A_311, %or3A_312 : i1
        %or3A_314 = arith.ori %or3A_313, %eq3A_183 : i1
        %convert_element_type3A_315 = arith.extui %or3A_314 : i1 to i32
        %cond3A_316 = arith.constant 0 : i32
        %cond3A_317 = arith.cmpi ne, %convert_element_type3A_315, %cond3A_316 : i32
        scf.if %cond3A_317 {
        } else {
        }
        %and3A_318 = arith.constant false
        %and3A_319 = arith.andi %or3A_314, %and3A_318 : i1
        %add3A_320 = arith.constant 896 : i32
        %add3A_321 = arith.addi %add3A_184, %add3A_320 : i32
        %add3A_322 = arith.constant 896 : i32
        %add3A_323 = arith.addi %add3A_202, %add3A_322 : i32
        %ne3A_324 = arith.cmpi ne, %add3A_321, %add3A_323 : i32
        %or3A_325 = arith.constant false
        %or3A_326 = arith.ori %or3A_325, %ne3A_324 : i1
        %or3A_327 = arith.constant false
        %or3A_328 = arith.ori %or3A_326, %or3A_327 : i1
        %or3A_329 = arith.ori %or3A_328, %eq3A_183 : i1
        %convert_element_type3A_330 = arith.extui %or3A_329 : i1 to i32
        %cond3A_331 = arith.constant 0 : i32
        %cond3A_332 = arith.cmpi ne, %convert_element_type3A_330, %cond3A_331 : i32
        scf.if %cond3A_332 {
        } else {
        }
        %and3A_333 = arith.constant false
        %and3A_334 = arith.andi %or3A_329, %and3A_333 : i1
        %ne3A_335 = arith.cmpi ne, %add3A_184, %add3A_202 : i32
        %or3A_336 = arith.constant false
        %or3A_337 = arith.ori %or3A_336, %ne3A_335 : i1
        %or3A_338 = arith.constant false
        %or3A_339 = arith.ori %or3A_337, %or3A_338 : i1
        %or3A_340 = arith.ori %or3A_339, %eq3A_183 : i1
        %convert_element_type3A_341 = arith.extui %or3A_340 : i1 to i32
        %cond3A_342 = arith.constant 0 : i32
        %cond3A_343 = arith.cmpi ne, %convert_element_type3A_341, %cond3A_342 : i32
        scf.if %cond3A_343 {
          "tpu.trace_start"() <{level = 10 : i32, message = "ep_copy_out"}> : () -> ()
          %rem3A_433 = arith.constant 2 : i32
          %rem3A_434 = arith.remui %scan3A_177, %rem3A_433 : i32
          %mul3A_435 = arith.constant 16 : i32
          %mul3A_436 = arith.muli %mul3A_435, %add3A_184 : i32
          %dma_start3A_437 = arith.constant 0 : i32
          %dma_start3A_438 = arith.constant 0 : i32
          %dma_start3A_439 = tpu.memref_slice %run_scoped3A_29[%rem3A_434, %dma_start3A_437, %dma_start3A_438] : memref<2x16x128xf32, #tpu.memory_space<vmem>> -> memref<1x16x128xf32, #tpu.memory_space<vmem>>
          %dma_start3A_440 = tpu.memref_squeeze %dma_start3A_439 : memref<1x16x128xf32, #tpu.memory_space<vmem>> -> memref<16x128xf32, #tpu.memory_space<vmem>>
          %dma_start3A_441 = arith.constant 0 : i32
          %dma_start3A_442 = tpu.memref_slice %arg6[%mul3A_436, %dma_start3A_441] : memref<2048x128xf32, #tpu.memory_space<hbm>> -> memref<16x128xf32, #tpu.memory_space<hbm>>
          %dma_start3A_443 = tpu.memref_slice %run_scoped3A_30[%rem3A_434] : memref<2x!tpu.dma_semaphore, #tpu.memory_space<semaphore_mem>> -> memref<1x!tpu.dma_semaphore, #tpu.memory_space<semaphore_mem>>
          %dma_start3A_444 = tpu.memref_squeeze %dma_start3A_443 : memref<1x!tpu.dma_semaphore, #tpu.memory_space<semaphore_mem>> -> memref<!tpu.dma_semaphore, #tpu.memory_space<semaphore_mem>>
          %dma_start3A_445 = arith.constant 0 : i32
          %dma_start3A_446 = tpu.memref_slice %arg6[%mul3A_436, %dma_start3A_445] : memref<2048x128xf32, #tpu.memory_space<hbm>> -> memref<16x128xf32, #tpu.memory_space<hbm>>
          %dma_start3A_447 = arith.constant 0 : i32
          %dma_start3A_448 = arith.constant 0 : i32
          %dma_start3A_449 = tpu.memref_slice %run_scoped3A_29[%rem3A_434, %dma_start3A_447, %dma_start3A_448] : memref<2x16x128xf32, #tpu.memory_space<vmem>> -> memref<1x16x128xf32, #tpu.memory_space<vmem>>
          %dma_start3A_450 = tpu.memref_squeeze %dma_start3A_449 : memref<1x16x128xf32, #tpu.memory_space<vmem>> -> memref<16x128xf32, #tpu.memory_space<vmem>>
          tpu.enqueue_dma source(%dma_start3A_450 : memref<16x128xf32, #tpu.memory_space<vmem>>) target(%dma_start3A_446 : memref<16x128xf32, #tpu.memory_space<hbm>>) target_semaphore(%dma_start3A_444 : memref<!tpu.dma_semaphore, #tpu.memory_space<semaphore_mem>>)
          "tpu.trace_stop"() : () -> ()
        } else {
        }
        %and3A_344 = arith.constant true
        %and3A_345 = arith.andi %or3A_340, %and3A_344 : i1
        %add3A_346 = arith.constant 1 : i32
        %add3A_347 = arith.addi %scan3A_177, %add3A_346 : i32
        %select_n3A_348 = arith.select %and3A_345, %add3A_347, %scan3A_177 : i32
        %add3A_349 = arith.constant 896 : i32
        %add3A_350 = arith.addi %add3A_184, %add3A_349 : i32
        %add3A_351 = arith.constant 896 : i32
        %add3A_352 = arith.addi %add3A_193, %add3A_351 : i32
        %ne3A_353 = arith.cmpi ne, %add3A_350, %add3A_352 : i32
        %or3A_354 = arith.constant false
        %or3A_355 = arith.ori %or3A_354, %ne3A_353 : i1
        %or3A_356 = arith.constant false
        %or3A_357 = arith.ori %or3A_355, %or3A_356 : i1
        %not3A_358 = arith.constant true
        %not3A_359 = arith.xori %eq3A_181, %not3A_358 : i1
        %and3A_360 = arith.andi %or3A_357, %not3A_359 : i1
        %convert_element_type3A_361 = arith.extui %and3A_360 : i1 to i32
        %cond3A_362 = arith.constant 0 : i32
        %cond3A_363 = arith.cmpi ne, %convert_element_type3A_361, %cond3A_362 : i32
        scf.if %cond3A_363 {
        } else {
        }
        %and3A_364 = arith.constant false
        %and3A_365 = arith.andi %and3A_360, %and3A_364 : i1
        %add3A_366 = arith.constant 896 : i32
        %add3A_367 = arith.addi %add3A_184, %add3A_366 : i32
        %add3A_368 = arith.constant 896 : i32
        %add3A_369 = arith.addi %add3A_193, %add3A_368 : i32
        %ne3A_370 = arith.cmpi ne, %add3A_367, %add3A_369 : i32
        %or3A_371 = arith.constant false
        %or3A_372 = arith.ori %or3A_371, %ne3A_370 : i1
        %or3A_373 = arith.constant false
        %or3A_374 = arith.ori %or3A_372, %or3A_373 : i1
        %not3A_375 = arith.constant true
        %not3A_376 = arith.xori %eq3A_181, %not3A_375 : i1
        %and3A_377 = arith.andi %or3A_374, %not3A_376 : i1
        %convert_element_type3A_378 = arith.extui %and3A_377 : i1 to i32
        %cond3A_379 = arith.constant 0 : i32
        %cond3A_380 = arith.cmpi ne, %convert_element_type3A_378, %cond3A_379 : i32
        scf.if %cond3A_380 {
        } else {
        }
        %and3A_381 = arith.constant false
        %and3A_382 = arith.andi %and3A_377, %and3A_381 : i1
        %ne3A_383 = arith.cmpi ne, %add3A_184, %add3A_193 : i32
        %or3A_384 = arith.constant false
        %or3A_385 = arith.ori %or3A_384, %ne3A_383 : i1
        %or3A_386 = arith.constant false
        %or3A_387 = arith.ori %or3A_385, %or3A_386 : i1
        %not3A_388 = arith.constant true
        %not3A_389 = arith.xori %eq3A_181, %not3A_388 : i1
        %and3A_390 = arith.andi %or3A_387, %not3A_389 : i1
        %convert_element_type3A_391 = arith.extui %and3A_390 : i1 to i32
        %cond3A_392 = arith.constant 0 : i32
        %cond3A_393 = arith.cmpi ne, %convert_element_type3A_391, %cond3A_392 : i32
        scf.if %cond3A_393 {
          "tpu.trace_start"() <{level = 10 : i32, message = "ep_wait_out"}> : () -> ()
          %rem3A_433 = arith.constant 2 : i32
          %rem3A_434 = arith.remui %scan3A_178, %rem3A_433 : i32
          %mul3A_435 = arith.constant 16 : i32
          %mul3A_436 = arith.muli %mul3A_435, %add3A_193 : i32
          %dma_wait3A_437 = arith.constant 0 : i32
          %dma_wait3A_438 = arith.constant 0 : i32
          %dma_wait3A_439 = tpu.memref_slice %run_scoped3A_29[%rem3A_434, %dma_wait3A_437, %dma_wait3A_438] : memref<2x16x128xf32, #tpu.memory_space<vmem>> -> memref<1x16x128xf32, #tpu.memory_space<vmem>>
          %dma_wait3A_440 = tpu.memref_squeeze %dma_wait3A_439 : memref<1x16x128xf32, #tpu.memory_space<vmem>> -> memref<16x128xf32, #tpu.memory_space<vmem>>
          %dma_wait3A_441 = arith.constant 0 : i32
          %dma_wait3A_442 = tpu.memref_slice %arg6[%mul3A_436, %dma_wait3A_441] : memref<2048x128xf32, #tpu.memory_space<hbm>> -> memref<16x128xf32, #tpu.memory_space<hbm>>
          %dma_wait3A_443 = tpu.memref_slice %run_scoped3A_30[%rem3A_434] : memref<2x!tpu.dma_semaphore, #tpu.memory_space<semaphore_mem>> -> memref<1x!tpu.dma_semaphore, #tpu.memory_space<semaphore_mem>>
          %dma_wait3A_444 = tpu.memref_squeeze %dma_wait3A_443 : memref<1x!tpu.dma_semaphore, #tpu.memory_space<semaphore_mem>> -> memref<!tpu.dma_semaphore, #tpu.memory_space<semaphore_mem>>
          %dma_wait3A_445 = arith.constant 0 : i32
          %dma_wait3A_446 = tpu.memref_slice %arg6[%mul3A_436, %dma_wait3A_445] : memref<2048x128xf32, #tpu.memory_space<hbm>> -> memref<16x128xf32, #tpu.memory_space<hbm>>
          %dma_wait3A_447 = arith.constant 0 : i32
          %dma_wait3A_448 = arith.constant 0 : i32
          %dma_wait3A_449 = tpu.memref_slice %run_scoped3A_29[%rem3A_434, %dma_wait3A_447, %dma_wait3A_448] : memref<2x16x128xf32, #tpu.memory_space<vmem>> -> memref<1x16x128xf32, #tpu.memory_space<vmem>>
          %dma_wait3A_450 = tpu.memref_squeeze %dma_wait3A_449 : memref<1x16x128xf32, #tpu.memory_space<vmem>> -> memref<16x128xf32, #tpu.memory_space<vmem>>
          tpu.wait_dma2 semaphore(%dma_wait3A_444 : memref<!tpu.dma_semaphore, #tpu.memory_space<semaphore_mem>>) src(%dma_wait3A_450 : memref<16x128xf32, #tpu.memory_space<vmem>>) dst(%dma_wait3A_446 : memref<16x128xf32, #tpu.memory_space<hbm>>)
          "tpu.trace_stop"() : () -> ()
        } else {
        }
        %and3A_394 = arith.constant true
        %and3A_395 = arith.andi %and3A_390, %and3A_394 : i1
        %add3A_396 = arith.constant 1 : i32
        %add3A_397 = arith.addi %scan3A_178, %add3A_396 : i32
        %select_n3A_398 = arith.select %and3A_395, %add3A_397, %scan3A_178 : i32
        %add3A_399 = arith.constant 896 : i32
        %add3A_400 = arith.addi %add3A_184, %add3A_399 : i32
        %add3A_401 = arith.constant 896 : i32
        %add3A_402 = arith.addi %add3A_202, %add3A_401 : i32
        %ne3A_403 = arith.cmpi ne, %add3A_400, %add3A_402 : i32
        %or3A_404 = arith.constant false
        %or3A_405 = arith.ori %or3A_404, %ne3A_403 : i1
        %or3A_406 = arith.constant false
        %or3A_407 = arith.ori %or3A_405, %or3A_406 : i1
        %or3A_408 = arith.ori %or3A_407, %eq3A_183 : i1
        %add3A_409 = arith.constant 1 : i32
        %add3A_410 = arith.addi %scan3A_174, %add3A_409 : i32
        %select_n3A_411 = arith.select %or3A_408, %add3A_410, %scan3A_174 : i32
        %add3A_412 = arith.constant 896 : i32
        %add3A_413 = arith.addi %add3A_184, %add3A_412 : i32
        %add3A_414 = arith.constant 896 : i32
        %add3A_415 = arith.addi %add3A_202, %add3A_414 : i32
        %ne3A_416 = arith.cmpi ne, %add3A_413, %add3A_415 : i32
        %or3A_417 = arith.constant false
        %or3A_418 = arith.ori %or3A_417, %ne3A_416 : i1
        %or3A_419 = arith.constant false
        %or3A_420 = arith.ori %or3A_418, %or3A_419 : i1
        %or3A_421 = arith.ori %or3A_420, %eq3A_183 : i1
        %add3A_422 = arith.constant 1 : i32
        %add3A_423 = arith.addi %scan3A_176, %add3A_422 : i32
        %select_n3A_424 = arith.select %or3A_421, %add3A_423, %scan3A_176 : i32
        %add3A_425 = arith.constant 1 : i32
        %add3A_426 = arith.addi %scan3A_179, %add3A_425 : i32
        %select_n3A_427 = arith.constant true
        %select_n3A_428 = arith.select %select_n3A_427, %add3A_426, %scan3A_179 : i32
        %eq3A_429 = arith.constant 4 : i32
        %eq3A_430 = arith.cmpi eq, %select_n3A_428, %eq3A_429 : i32
        %select_n3A_431 = arith.constant 0 : i32
        %select_n3A_432 = arith.select %eq3A_430, %select_n3A_431, %select_n3A_428 : i32
        scf.yield %select_n3A_226, %select_n3A_411, %select_n3A_248, %select_n3A_424, %select_n3A_348, %select_n3A_398, %select_n3A_432 : i32, i32, i32, i32, i32, i32, i32
      }
      %scan3A_119 = arith.constant 4 : i32
      %sub3A = arith.constant 1 : i32
      %sub3A_120 = arith.subi %scan3A_118#6, %sub3A : i32
      %select_n3A_121 = arith.constant true
      %select_n3A_122 = arith.select %select_n3A_121, %sub3A_120, %scan3A_118#6 : i32
      %eq3A_123 = arith.constant -1 : i32
      %eq3A_124 = arith.cmpi eq, %select_n3A_122, %eq3A_123 : i32
      %select_n3A_125 = arith.constant 3 : i32
      %select_n3A_126 = arith.select %eq3A_124, %select_n3A_125, %select_n3A_122 : i32
      %add3A_127 = arith.addi %select_n3A_126, %mul3A_25 : i32
      %sub3A_128 = arith.constant 1 : i32
      %sub3A_129 = arith.subi %select_n3A_126, %sub3A_128 : i32
      %select_n3A_130 = arith.constant true
      %select_n3A_131 = arith.select %select_n3A_130, %sub3A_129, %select_n3A_126 : i32
      %eq3A_132 = arith.constant -1 : i32
      %eq3A_133 = arith.cmpi eq, %select_n3A_131, %eq3A_132 : i32
      %select_n3A_134 = arith.constant 3 : i32
      %select_n3A_135 = arith.select %eq3A_133, %select_n3A_134, %select_n3A_131 : i32
      %add3A_136 = arith.addi %select_n3A_135, %mul3A_25 : i32
      %add3A_137 = arith.constant 1 : i32
      %add3A_138 = arith.addi %select_n3A_126, %add3A_137 : i32
      %select_n3A_139 = arith.constant true
      %select_n3A_140 = arith.select %select_n3A_139, %add3A_138, %select_n3A_126 : i32
      %eq3A_141 = arith.constant 4 : i32
      %eq3A_142 = arith.cmpi eq, %select_n3A_140, %eq3A_141 : i32
      %select_n3A_143 = arith.constant 0 : i32
      %select_n3A_144 = arith.select %eq3A_142, %select_n3A_143, %select_n3A_140 : i32
      %add3A_145 = arith.addi %select_n3A_144, %mul3A_25 : i32
      %add3A_146 = arith.constant 1 : i32
      %add3A_147 = arith.addi %select_n3A_144, %add3A_146 : i32
      %select_n3A_148 = arith.constant true
      %select_n3A_149 = arith.select %select_n3A_148, %add3A_147, %select_n3A_144 : i32
      %eq3A_150 = arith.constant 4 : i32
      %eq3A_151 = arith.cmpi eq, %select_n3A_149, %eq3A_150 : i32
      %select_n3A_152 = arith.constant 0 : i32
      %select_n3A_153 = arith.select %eq3A_151, %select_n3A_152, %select_n3A_149 : i32
      %add3A_154 = arith.addi %select_n3A_153, %mul3A_25 : i32
      "tpu.trace_start"() <{level = 10 : i32, message = "ep_finalize"}> : () -> ()
      %rem3A_155 = arith.constant 2 : i32
      %rem3A_156 = arith.remui %scan3A_118#5, %rem3A_155 : i32
      %mul3A_157 = arith.constant 16 : i32
      %mul3A_158 = arith.muli %mul3A_157, %add3A_127 : i32
      %dma_wait3A = arith.constant 0 : i32
      %dma_wait3A_159 = arith.constant 0 : i32
      %dma_wait3A_160 = tpu.memref_slice %run_scoped3A_29[%rem3A_156, %dma_wait3A, %dma_wait3A_159] : memref<2x16x128xf32, #tpu.memory_space<vmem>> -> memref<1x16x128xf32, #tpu.memory_space<vmem>>
      %dma_wait3A_161 = tpu.memref_squeeze %dma_wait3A_160 : memref<1x16x128xf32, #tpu.memory_space<vmem>> -> memref<16x128xf32, #tpu.memory_space<vmem>>
      %dma_wait3A_162 = arith.constant 0 : i32
      %dma_wait3A_163 = tpu.memref_slice %arg6[%mul3A_158, %dma_wait3A_162] : memref<2048x128xf32, #tpu.memory_space<hbm>> -> memref<16x128xf32, #tpu.memory_space<hbm>>
      %dma_wait3A_164 = tpu.memref_slice %run_scoped3A_30[%rem3A_156] : memref<2x!tpu.dma_semaphore, #tpu.memory_space<semaphore_mem>> -> memref<1x!tpu.dma_semaphore, #tpu.memory_space<semaphore_mem>>
      %dma_wait3A_165 = tpu.memref_squeeze %dma_wait3A_164 : memref<1x!tpu.dma_semaphore, #tpu.memory_space<semaphore_mem>> -> memref<!tpu.dma_semaphore, #tpu.memory_space<semaphore_mem>>
      %dma_wait3A_166 = arith.constant 0 : i32
      %dma_wait3A_167 = tpu.memref_slice %arg6[%mul3A_158, %dma_wait3A_166] : memref<2048x128xf32, #tpu.memory_space<hbm>> -> memref<16x128xf32, #tpu.memory_space<hbm>>
      %dma_wait3A_168 = arith.constant 0 : i32
      %dma_wait3A_169 = arith.constant 0 : i32
      %dma_wait3A_170 = tpu.memref_slice %run_scoped3A_29[%rem3A_156, %dma_wait3A_168, %dma_wait3A_169] : memref<2x16x128xf32, #tpu.memory_space<vmem>> -> memref<1x16x128xf32, #tpu.memory_space<vmem>>
      %dma_wait3A_171 = tpu.memref_squeeze %dma_wait3A_170 : memref<1x16x128xf32, #tpu.memory_space<vmem>> -> memref<16x128xf32, #tpu.memory_space<vmem>>
      tpu.wait_dma2 semaphore(%dma_wait3A_165 : memref<!tpu.dma_semaphore, #tpu.memory_space<semaphore_mem>>) src(%dma_wait3A_171 : memref<16x128xf32, #tpu.memory_space<vmem>>) dst(%dma_wait3A_167 : memref<16x128xf32, #tpu.memory_space<hbm>>)
      "tpu.trace_stop"() : () -> ()
      tpu.yield
    }) : () -> ()
    return
  }
}

module attributes {stable_mosaic.version = 14 : i64} {
  func.func @_tc_body(%arg0: i32, %arg1: memref<2xf32, #tpu.memory_space<smem>>, %arg2: memref<2xf32, #tpu.memory_space<smem>>, %arg3: memref<2048x128xf32, #tpu.memory_space<vmem>>, %arg4: memref<1024x128xf32, #tpu.memory_space<vmem>>, %arg5: memref<2048x128xf32, #tpu.memory_space<vmem>>) attributes {dimension_semantics = [#tpu.dimension_semantics<arbitrary>], iteration_bounds = array<i64: 7>, scalar_prefetch = 0 : i64, scratch_operands = 0 : i64, tpu.core_type = #tpu.core_type<tc>, window_params = [{transform_indices = @transform_0, window_bounds = array<i64: 2>}, {transform_indices = @transform_1, window_bounds = array<i64: 2>}, {transform_indices = @transform_2, window_bounds = array<i64: 2048, 128>}, {transform_indices = @transform_3, window_bounds = array<i64: 1024, 128>}, {transform_indices = @transform_4, window_bounds = array<i64: 2048, 128>}]} {
    %get3A = arith.constant 0 : index
    %get3A_0 = arith.constant 0 : index
    %get3A_1 = vector.load %arg3[%get3A, %get3A_0] : memref<2048x128xf32, #tpu.memory_space<vmem>>, vector<2048x128xf32>
    %iota3A = tpu.iota {dimensions = array<i32: 0>} : vector<2048x128xi32>
    %and3A = arith.constant 1 : i32
    %and3A_2 = vector.broadcast %and3A : i32 to vector<2048x128xi32>
    %and3A_3 = arith.andi %iota3A, %and3A_2 : vector<2048x128xi32>
    %eq3A = arith.constant 0 : i32
    %eq3A_4 = vector.broadcast %eq3A : i32 to vector<2048x128xi32>
    %eq3A_5 = arith.cmpi eq, %and3A_3, %eq3A_4 : vector<2048x128xi32>
    %get3A_6 = arith.constant 0 : index
    %get3A_7 = memref.load %arg1[%get3A_6] : memref<2xf32, #tpu.memory_space<smem>>
    %get3A_8 = arith.constant 1 : index
    %get3A_9 = memref.load %arg1[%get3A_8] : memref<2xf32, #tpu.memory_space<smem>>
    %broadcast_in_dim3A = vector.broadcast %get3A_7 : f32 to vector<2048x128xf32>
    %broadcast_in_dim3A_10 = vector.broadcast %get3A_9 : f32 to vector<2048x128xf32>
    %select_n3A = arith.select %eq3A_5, %broadcast_in_dim3A, %broadcast_in_dim3A_10 : vector<2048x128xi1>, vector<2048x128xf32>
    %get3A_11 = arith.constant 0 : index
    %get3A_12 = memref.load %arg2[%get3A_11] : memref<2xf32, #tpu.memory_space<smem>>
    %get3A_13 = arith.constant 1 : index
    %get3A_14 = memref.load %arg2[%get3A_13] : memref<2xf32, #tpu.memory_space<smem>>
    %broadcast_in_dim3A_15 = vector.broadcast %get3A_12 : f32 to vector<2048x128xf32>
    %broadcast_in_dim3A_16 = vector.broadcast %get3A_14 : f32 to vector<2048x128xf32>
    %select_n3A_17 = arith.select %eq3A_5, %broadcast_in_dim3A_15, %broadcast_in_dim3A_16 : vector<2048x128xi1>, vector<2048x128xf32>
    %mul3A = arith.mulf %select_n3A, %get3A_1 : vector<2048x128xf32>
    %add3A = arith.addf %mul3A, %select_n3A_17 : vector<2048x128xf32>
    %mul3A_18 = arith.mulf %add3A, %add3A : vector<2048x128xf32>
    %slice3A = vector.extract_strided_slice %mul3A_18 {offsets = [1, 0], sizes = [2047, 128], strides = [1, 1]} : vector<2048x128xf32> to vector<2047x128xf32>
    %slice3A_19 = vector.extract_strided_slice %mul3A_18 {offsets = [0, 0], sizes = [1, 128], strides = [1, 1]} : vector<2048x128xf32> to vector<1x128xf32>
    %concatenate3A = tpu.concatenate %slice3A, %slice3A_19 in 0 : vector<2047x128xf32>, vector<1x128xf32> -> vector<2048x128xf32>
    %add3A_20 = arith.addf %mul3A_18, %concatenate3A : vector<2048x128xf32>
    %slice3A_21 = vector.extract_strided_slice %add3A_20 {offsets = [2047, 0], sizes = [1, 128], strides = [1, 1]} : vector<2048x128xf32> to vector<1x128xf32>
    %slice3A_22 = vector.extract_strided_slice %add3A_20 {offsets = [0, 0], sizes = [2047, 128], strides = [1, 1]} : vector<2048x128xf32> to vector<2047x128xf32>
    %concatenate3A_23 = tpu.concatenate %slice3A_21, %slice3A_22 in 0 : vector<1x128xf32>, vector<2047x128xf32> -> vector<2048x128xf32>
    %select_n3A_24 = arith.select %eq3A_5, %add3A_20, %concatenate3A_23 : vector<2048x128xi1>, vector<2048x128xf32>
    %mul3A_25 = arith.constant 5.000000e-01 : f32
    %mul3A_26 = vector.broadcast %mul3A_25 : f32 to vector<2048x128xf32>
    %mul3A_27 = arith.mulf %mul3A_26, %select_n3A_24 : vector<2048x128xf32>
    %sub3A = arith.constant -1.83787704 : f32
    %sub3A_28 = vector.broadcast %sub3A : f32 to vector<2048x128xf32>
    %sub3A_29 = arith.subf %sub3A_28, %mul3A_27 : vector<2048x128xf32>
    %sub3A_30 = arith.constant -1.83787704 : f32
    %sub3A_31 = vector.broadcast %sub3A_30 : f32 to vector<2048x128xf32>
    %sub3A_32 = arith.subf %sub3A_29, %sub3A_31 : vector<2048x128xf32>
    %exp3A = math.exp %sub3A_32 : vector<2048x128xf32>
    %get3A_33 = arith.constant 0 : index
    %get3A_34 = arith.constant 0 : index
    %get3A_35 = vector.load %arg4[%get3A_33, %get3A_34] : memref<1024x128xf32, #tpu.memory_space<vmem>>, vector<1024x128xf32>
    %broadcast_in_dim3A_36 = vector.shape_cast %get3A_35 : vector<1024x128xf32> to vector<1024x1x128xf32>
    %broadcast_in_dim3A_37 = vector.broadcast %broadcast_in_dim3A_36 : vector<1024x1x128xf32> to vector<1024x2x128xf32>
    %reshape3A = vector.shape_cast %broadcast_in_dim3A_37 : vector<1024x2x128xf32> to vector<2048x128xf32>
    %gt3A = arith.cmpf ogt, %exp3A, %reshape3A : vector<2048x128xf32>
    %broadcast_in_dim3A_38 = arith.constant 0.000000e+00 : f32
    %broadcast_in_dim3A_39 = vector.broadcast %broadcast_in_dim3A_38 : f32 to vector<2048x128xf32>
    %select_n3A_40 = arith.select %gt3A, %add3A, %broadcast_in_dim3A_39 : vector<2048x128xi1>, vector<2048x128xf32>
    %swap3A = arith.constant 0 : index
    %swap3A_41 = arith.constant 0 : index
    %swap3A_42 = vector.load %arg5[%swap3A, %swap3A_41] : memref<2048x128xf32, #tpu.memory_space<vmem>>, vector<2048x128xf32>
    tpu.vector_store %arg5[%swap3A, %swap3A_41], %select_n3A_40 {strides = array<i32>} : memref<2048x128xf32, #tpu.memory_space<vmem>>, vector<2048x128xf32>,
    return
  }
  func.func @transform_0(%arg0: i32) -> i32 {
    %c0_i32 = arith.constant 0 : i32
    %c0_i32_0 = arith.constant 0 : i32
    return %c0_i32 : i32
  }
  func.func @transform_1(%arg0: i32) -> i32 {
    %c0_i32 = arith.constant 0 : i32
    %c0_i32_0 = arith.constant 0 : i32
    return %c0_i32 : i32
  }
  func.func @transform_2(%arg0: i32) -> (i32, i32) {
    %c0_i32 = arith.constant 0 : i32
    %c0_i32_0 = arith.constant 0 : i32
    return %arg0, %c0_i32 : i32, i32
  }
  func.func @transform_3(%arg0: i32) -> (i32, i32) {
    %c0_i32 = arith.constant 0 : i32
    %c0_i32_0 = arith.constant 0 : i32
    return %arg0, %c0_i32 : i32, i32
  }
  func.func @transform_4(%arg0: i32) -> (i32, i32) {
    %c0_i32 = arith.constant 0 : i32
    %c0_i32_0 = arith.constant 0 : i32
    return %arg0, %c0_i32 : i32, i32
  }
}

</mosaic_0001>

<sc_bundles>
// kernel: kernel.4.cloned.1.call-start
scs
__scs_entry_jumppad:
0x0: {  	(pc) =	sbr.rel $0x88, $3  }
0x1: {  	(tag) =	ssettag $0x0;
	lr =	simm.s32 $0x1  }
0x2: {  	[smem:$0x3F9D] =	sst lr;
	_ =	strace $0xD0000000  }
0x3: {  	_ = 	snop  }
0x4: {  	_ = 	snop  }
0x5: {  	_ = 	snop  }
0x6: {  	_ = 	snop  }
0x7: {  	_ = 	snop  }
__scs_overlays_trampoline_lowered:
0x8: {  	[smem:$0x3FAC] =	sst s0  }
0x9: {  	[smem:$0x3FAD] =	sst s1  }
0xa: {  	[smem:$0x3FAE] =	sst s2  }
0xb: {  	[smem:$0x3FAF] =	sst s3  }
0xc: {  	[smem:$0x3FB0] =	sst s4  }
0xd: {  	[smem:$0x3FB1] =	sst s5  }
0xe: {  	[smem:$0x3FB2] =	sst s6  }
0xf: {  	[smem:$0x3FB3] =	sst s7  }
0x10: {  	[smem:$0x3FB4] =	sst s8  }
0x11: {  	[smem:$0x3FB5] =	sst s9;
	s0 =	simm.s32 @!p0 $0x0  }
0x12: {  	s1 =	sld [smem:$0x3F9B];
	s0 =	simm.s32 @p0 $0x1  }
0x13: {  	[smem:$0x3FB6] =	sst s0;
	s0 =	simm.s32 @!p1 $0x0  }
0x14: {  	s2 =	sld [smem:$0x3F9A];
	s0 =	simm.s32 @p1 $0x1  }
0x15: {  	[smem:$0x3FB7] =	sst s0;
	s0 =	simm.s32 @!p2 $0x0  }
0x16: {  	s3 =	sld [smem:$0x3FDB];
	s0 =	simm.s32 @p2 $0x1  }
0x17: {  	s4 =	simm.s32 $0x1BF5;
	[smem:$0x3FB9] =	sst s0  }
0x18: {  	s0 =	sld [smem:$0x3F9C];
	_ =	swait.ge [sflag:s4], $0x0  }
0x19: {  	s7 =	sld [smem:$0x3F9D]  }
0x1a: {  	s8 =	sadd.s32 $0xFFFFE003, lr  }
0x1b: {  	s9 =	sadd.s32 $0xFFFFFEF7, lr;
	s5 =	simm.s32 $0xFFFFFFFF;
	p2 =	slt.u32 s8, $0xFFFFF086  }
0x1c: {  	p1 =	slt.u32 s9, $0xF7A;
	s5 =	simm.s32 @!p2 $0x0  }
0x1d: {  	s5 =	simm.s32 @p1 $0x1;
	p0 =	seq.s32 s7, s2  }
0x1e: {  	s7 =	smul.u32 @!p0 $0xF7A, s2;
	p2 =	seq.s32 @!p0 s5, $0x0  }
0x1f: {  	s9 =	smul.u32 $0xF7A, s1;
	s8 =	simm.s32 @!p0 $0x1BF5;
	p2 =	por !p2, p0  }
0x20: {  	[sflag:s8] =	ssyncset.s32 @!p0 $0xFFFFF086;
	s6 =	sadd.s32 @!p0 s3, s7;
	s7 =	simm.s32 @!p0 $0x108  }
0x21: {  	s3 =	sadd.s32 s3, s9;
	s6 =	sadd.s32 @!p0 $0x88, s6;
	s7 =	simm.s32 @p2 $0x1082  }
0x22: {  	[simem:s7], [sflag:s8] =	dma.local @!p0 [hbm:s6], $0xF7A  }
0x23: {  	s9 =	sor.u32 $0xD0000000, s2;
	s6 =	simm.s32 $0x108;
	_ =	swait.ge @!p0 [sflag:s8], $0x0  }
0x24: {  	s3 =	sadd.s32 $0x88, s3;
	s6 =	simm.s32 @!p1 $0x1082;
	[sflag:s4] =	ssyncset.s32 $0xFFFFF086  }
0x25: {  	[simem:s6], [sflag:s4] =	dma.local [hbm:s3], $0xF7A  }
0x26: {  	[smem:$0x3F9D] =	sst s1;
	(tag) =	ssettag s2;
	_ =	strace s9  }
0x27: {  	s1 =	sld [smem:$0x3FAD]  }
0x28: {  	s2 =	sld [smem:$0x3FAE]  }
0x29: {  	s4 =	sld [smem:$0x3FB0]  }
0x2a: {  	p0 =	seq.s32 s5, $0x0;
	s5 =	sld [smem:$0x3FB1]  }
0x2b: {  	s6 =	sld [smem:$0x3FB2]  }
0x2c: {  	s7 =	sld [smem:$0x3FB3]  }
0x2d: {  	s3 =	simm.s32 $0x108;
	s8 =	sld [smem:$0x3FB4]  }
0x2e: {  	s3 =	simm.s32 @!p0 $0x1082;
	s9 =	sld [smem:$0x3FB5]  }
0x2f: {  	lr =	sadd.s32 s0, s3;
	s0 =	sld [smem:$0x3FAC]  }
0x30: {  	s3 =	sld [smem:$0x3FAF]  }
0x31: {  	[smem:$0x3FB8] =	sst s10  }
0x32: {  	s10 =	sld [smem:$0x3FB6];
	_ =	sdelay $0x3  }
0x33: {  	p0 =	seq.s32 s10, $0x1;
	s10 =	sld [smem:$0x3FB8];
	_ =	sdelay $0x3  }
0x34: {  	[smem:$0x3FB8] =	sst s10  }
0x35: {  	s10 =	sld [smem:$0x3FB7];
	_ =	sdelay $0x3  }
0x36: {  	p1 =	seq.s32 s10, $0x1;
	s10 =	sld [smem:$0x3FB8];
	_ =	sdelay $0x3  }
0x37: {  	[smem:$0x3FB8] =	sst s10  }
0x38: {  	s10 =	sld [smem:$0x3FB9]  }
0x39: {  	_ = 	snop;
	(pc) =	sbr.ind lr, $3  }
0x3a: {  	_ = 	snop  }
0x3b: {  	_ = 	snop  }
0x3c: {  	p2 =	seq.s32 s10, $0x1;
	s10 =	sld [smem:$0x3FB8]  }
0x3d: {  	_ =	shalt  }
0x3e: {  	_ =	shalt  }
0x3f: {  	_ =	shalt  }
0x40: {  	_ =	shalt  }
0x41: {  	_ =	shalt  }
0x42: {  	_ =	shalt  }
0x43: {  	_ =	shalt  }
0x44: {  	_ =	shalt  }
0x45: {  	_ =	shalt  }
0x46: {  	_ =	shalt  }
0x47: {  	_ =	shalt  }
0x48: {  	_ =	shalt  }
0x49: {  	_ =	shalt  }
0x4a: {  	_ =	shalt  }
0x4b: {  	_ =	shalt  }
0x4c: {  	_ =	shalt  }
0x4d: {  	_ =	shalt  }
0x4e: {  	_ =	shalt  }
0x4f: {  	_ =	shalt  }
0x50: {  	_ =	shalt  }
0x51: {  	_ =	shalt  }
0x52: {  	_ =	shalt  }
0x53: {  	_ =	shalt  }
0x54: {  	_ =	shalt  }
0x55: {  	_ =	shalt  }
0x56: {  	_ =	shalt  }
0x57: {  	_ =	shalt  }
0x58: {  	_ =	shalt  }
0x59: {  	_ =	shalt  }
0x5a: {  	_ =	shalt  }
0x5b: {  	_ =	shalt  }
0x5c: {  	_ =	shalt  }
0x5d: {  	_ =	shalt  }
0x5e: {  	_ =	shalt  }
0x5f: {  	_ =	shalt  }
0x60: {  	_ =	shalt  }
0x61: {  	_ =	shalt  }
0x62: {  	_ =	shalt  }
0x63: {  	_ =	shalt  }
0x64: {  	_ =	shalt  }
0x65: {  	_ =	shalt  }
0x66: {  	_ =	shalt  }
0x67: {  	_ =	shalt  }
0x68: {  	_ =	shalt  }
0x69: {  	_ =	shalt  }
0x6a: {  	_ =	shalt  }
0x6b: {  	_ =	shalt  }
0x6c: {  	_ =	shalt  }
0x6d: {  	_ =	shalt  }
0x6e: {  	_ =	shalt  }
0x6f: {  	_ =	shalt  }
0x70: {  	_ =	shalt  }
0x71: {  	_ =	shalt  }
0x72: {  	_ =	shalt  }
0x73: {  	_ =	shalt  }
0x74: {  	_ =	shalt  }
0x75: {  	_ =	shalt  }
0x76: {  	_ =	shalt  }
0x77: {  	_ =	shalt  }
0x78: {  	_ =	shalt  }
0x79: {  	_ =	shalt  }
0x7a: {  	_ =	shalt  }
0x7b: {  	_ =	shalt  }
0x7c: {  	_ =	shalt  }
0x7d: {  	_ =	shalt  }
0x7e: {  	_ =	shalt  }
0x7f: {  	_ =	shalt  }
0x80: {  	_ =	shalt  }
0x81: {  	_ =	shalt  }
0x82: {  	_ =	shalt  }
0x83: {  	_ =	shalt  }
0x84: {  	_ =	shalt  }
0x85: {  	_ =	shalt  }
0x86: {  	_ =	shalt  }
0x87: {  	_ =	shalt  }
.Lfunc_end0:
.L_simem_size_0:
called_computation_lowered:
.L_overlay_start_0:
0x88: {  	s2 =	sld [smem:$0x3FD9]  }
0x89: {  	s3 =	sld [smem:$0x3FFE];
	_ =	sdelay $0x1  }
0x8a: {  	s1 =	srdreg.scid  }
0x8b: {  	s0 =	sand.u32 $0x1, s1  }
0x8c: {  	s17 =	sshll.u32 s0, $0xA;
	s2 =	sadd.s32 s3, s2  }
0x8d: {  	s2 =	sadd.s32 s2, s17  }
0x8e: {  	[smem:$0x3FC4] =	sst s2  }
0x8f: {  	_ = 	snop  }
0x90: {  	s2 =	sld [smem:$0x3FC9]  }
0x91: {  	s18 =	sld [smem:$0x3FC8]  }
0x92: {  	s4 =	sld [smem:$0x3FD0];
	(tm) =	ssettm $0x1  }
0x93: {  	s5 =	sld [smem:$0x3FFB];
	_ =	sdelay $0x3  }
0x94: {  	_ =	strace s5  }
0x95: {  	s5 =	sld [smem:$0x3FFC];
	_ =	sdelay $0x3  }
0x96: {  	_ =	strace s5  }
0x97: {  	s5 =	sld [smem:$0x3FFD];
	_ =	sdelay $0x3  }
0x98: {  	_ =	strace s5  }
0x99: {  	_ =	strace $0x8FFFFFFF  }
0x9a: {  	s19 =	sld [smem:$0x3FDB];
	_ =	sdelay $0x1  }
0x9b: {  	s6 =	simm.s32 $_scs_section_size  }
0x9c: {  	s7 =	simm.s32 $_size__tile_overlayer_lowered;
	s8 =	simm.s32 $_tile_overlayer_lowered  }
0x9d: {  	s22 =	simm.s32 $0x1BFF;
	s21 =	sshll.u32 s8, $0x1;
	s5 =	sadd.s32 s6, s19  }
0x9e: {  	s9 =	simm.s32 $0x0;
	s20 =	sshll.u32 s7, $0x1;
	s7 =	sadd.s32 s21, s5  }
0x9f: {  	[timem:s9], [sflag:s22] =	dma.local [hbm:s7], s20  }
0xa0: {  	_ =	swait.ge [sflag:s22], s20  }
0xa1: {  	s6 =	ssub.s32 $0x0, s20;
	[sflag:s22] =	ssyncset.done $0x0  }
0xa2: {  	[sflag:s22] =	ssyncadd.s32 s6;
	_ =	sdelay $0x1  }
0xa3: {  	s23 =	simm.s32 $0x1B8B  }
0xa4: {  	_ =	swait.ge [sflag:s23], $0x1  }
0xa5: {  	[sflag:s23] =	ssyncset.done $0x0  }
0xa6: {  	s25 =	simm.s32 $0x1B8E;
	s24 =	sld [smem:$0x3FFE];
	[sflag:s23] =	ssyncadd.s32 $0xFFFFFFFF  }
0xa7: {  	s26 =	simm.s32 $execute0_lowered;
	[smem:$0x3FD2] =	sst s25  }
0xa8: {  	s7 =	sshll.u32 s26, $0x1;
	_ =	strace $0x80000046;
	[dreg:$0x1] =	wrdreg $0xFFFFFFFF  }
0xa9: {  	s28 =	simm.s32 $_size_execute0_lowered;
	s5 =	sadd.s32 s5, s7;
	[dreg:$0x0] =	wrdreg $0x0  }
0xaa: {  	s7 =	sshll.u32 s28, $0x1;
	[dreg:$0x2] =	wrdreg s5  }
0xab: {  	[dreg:$0x3] =	wrdreg s7  }
0xac: {  	[dreg:$0x4] =	wrdreg $0xC0  }
0xad: {  	_ =	task [dreg:s9], $0x5FFFF  }
0xae: {  	[dreg:$0x1] =	wrdreg $0xFFFFFFFF  }
0xaf: {  	[dreg:$0x0] =	wrdreg $0x60  }
0xb0: {  	[dreg:$0x2] =	wrdreg s2  }
0xb1: {  	[dreg:$0x3] =	wrdreg s18  }
0xb2: {  	[dreg:$0x4] =	wrdreg s4  }
0xb3: {  	[dreg:$0x5] =	wrdreg s24  }
0xb4: {  	[dreg:$0x6] =	wrdreg $0x9  }
0xb5: {  	_ =	task.clear_ibuf [dreg:s9], $0x7FFFF;
	_ =	strace $0x90000046  }
0xb6: {  	s29 =	simm.s32 $0x9;
	_ =	strace $0x80000051  }
0xb7: {  	_ =	swait.ge [sflag:s29], $0x1  }
0xb8: {  	[sflag:s29] =	ssyncadd.s32 $0xFFFFFFFF  }
0xb9: {  	_ =	strace $0x90000051  }
0xba: {  	_ =	sfence  }
0xbb: {  	s30 =	sld [smem:$0x0];
	_ =	sdelay $0x2  }
0xbc: {  	s31 =	sshll.u32 s1, $0xD;
	s1 =	sshrl.u32 s1, $0x2  }
0xbd: {  	s3 =	sand.u32 $0x4000, s31;
	s1 =	sadd.s32 s1, s30  }
0xbe: {  	s0 =	sor.u32 s3, s0;
	s1 =	sshll.u32 s1, $0x11  }
0xbf: {  	s0 =	sor.u32 s1, s0  }
0xc0: {  	s0 =	sadd.s32 $0x8F2B, s0  }
0xc1: {  	[sflag:s0] =	ssyncadd.remote.s32 $0x1  }
0xc2: {  	_ =	sfence.sel $0xFFFF  }
0xc3: {  	[dreg:$0x0] =	wrdreg $0xFFFFFFFF;
	(pc) =	sbr.abs _section_cstart, $3  }
0xc4: {  	[dreg:$0x1] =	wrdreg $0xFFFFFFFF  }
0xc5: {  	_ =	task.clear_ibuf [dreg:s9], $0x2FFFF;
	_ =	strace $0x9FFFFFFF  }
0xc6: {  	(tm) =	ssettm $0x7FFFFFFF  }
0xc7: {  	_ =	shalt  }
tec
execute0_lowered:
.L_overlay_start_1:
0x0: {  	(tag) =	ssettag $0x1  }
0x1: {  	s1 =	rddreg [dreg:$0x0]  }
0x2: {  	s2 =	rddreg [dreg:$0x1]  }
0x3: {  	s0 =	rddreg [dreg:$0x3]  }
0x4: {  	s5 =	simm.s32 $0x0;
	s3 =	srdreg.scid;
	s6 =	stileid.u32  }
0x5: {  	s16 =	simm.s32 $0x1;
	s17 =	simm.s32 $0x6;
	s18 =	simm.s32 $0x0  }
0x6: {  	[smem:$0x7FF] =	sst s5;
	s3 =	sand.u32 $0x1, s3;
	s6 =	sshll.u32 s6, $0x2  }
0x7: {  	s7 =	sadd.s32 $0xC00, s0;
	_ =	strace $0x80000047;
	s4 =	sshll.u32 s3, $0x6  }
0x8: {  	[dreg:$0x5] =	wrdreg s7;
	s3 =	ssub.s32 $0x2, s3;
	s7 =	sor.u32 s6, s4  }
0x9: {  	s8 =	sadd.s32 $0xE00, s0;
	s29 =	sshrl.u32 s3, $0x1;
	s9 =	sor.u32 $0x380, s7  }
0xa: {  	s0 =	ssub.s32 s3, s29;
	s30 =	sshll.u32 s9, $0x8;
	s31 =	sshll.u32 s9, $0x7  }
0xb: {  	s12 =	smax.u32 s0, $0x1;
	s10 =	sadd.s32 s1, s30;
	s11 =	sadd.s32 s2, s31  }
.LBB2_1:
0xc: {  	s0 =	rddreg [dreg:$0x2]  }
0xd: {  	[tilespmem:s5], [sflag:$0x1] =	stream.linear.gather [hbm4b:s0+s5], $0x100, $0x38;
	[tilespmem:$0x2A00] =	vst v63  }
0xe: {  	_ =	swait.ge [sflag:s16], $0x100  }
0xf: {  	[sflag:s16] =	ssyncset.done $0x0  }
0x10: {  	s3 =	simm.s32 $0x100;
	s29 =	rddreg [dreg:$0x5];
	[sflag:s16] =	ssyncadd.s32 $0xFFFFFF00  }
0x11: {  	[tilespmem:s3], [sflag:$0x1] =	stream.linear.gather [hbm4b:s29+s5], $0x100, $0x38;
	[tilespmem:$0x2A00] =	vst v63  }
0x12: {  	_ =	swait.ge [sflag:s16], $0x100  }
0x13: {  	[sflag:s16] =	ssyncset.done $0x0  }
0x14: {  	[sflag:s16] =	ssyncadd.s32 $0xFFFFFF00  }
0x15: {  	v0 =	vld [tilespmem:$0x0]  }
0x16: {  	v1 =	vld [tilespmem:$0x80]  }
0x17: {  	s30 =	simm.s32 $0x200;
	s31 =	simm.s32 $0x1200;
	s28 =	simm.s32 $0x0;
	v2 =	vld [tilespmem:$0x100]  }
0x18: {  	s19 =	simm.s32 $0x0;
	s20 =	simm.s32 $0x0;
	v3 =	vld [tilespmem:$0x180];
	_ =	strace $0x80000048  }
0x19: {  	[tilespmem:s30], [sflag:$0x1] =	stream.linear.gather [hbm4b:s10+s5], $0x800, $0x200038;
	[tilespmem:$0x2A00] =	vst v63  }
0x1a: {  	s21 =	simm.s32 $0x0;
	s22 =	simm.s32 $0x1;
	s23 =	simm.s32 $0x0  }
0x1b: {  	[tilespmem:s31], [sflag:$0x3] =	stream.linear.gather [hbm4b:s11+s5], $0x400, $0x200038;
	[tilespmem:$0x2A00] =	vst v63  }
0x1c: {  	s24 =	simm.s32 $0x1;
	s25 =	simm.s32 $0x0;
	_ =	strace $0x90000048  }
.LBB2_2:
0x1d: {  	s26 =	sadd.s32 $0x1, s28  }
0x1e: {  	p0 =	seq.s32 s26, $0x4  }
0x1f: {  	s26 =	simm.s32 @p0 $0x0;
	p0 =	seq.s32 s25, $0x3  }
0x20: {  	p1 =	seq.s32 @!p0 s28, s26  }
0x21: {  	p2 =	por p1, p0  }
0x22: {  	s3 =	sadd.s32 @!p2 s26, s9;
	s4 =	sand.u32 @!p2 $0x1, s24  }
0x23: {  	_ =	strace @!p2 $0x80000049;
	s14 =	simm.s32 @!p2 $0x0;
	s13 =	sshll.u32 @!p2 s3, $0x8  }
0x24: {  	s6 =	sshll.u32 @!p2 s4, $0xB;
	s4 =	sadd.s32 @!p2 $0x1, s4;
	s13 =	sand.u32 @!p2 $0x1FFFFF00, s13  }
0x25: {  	s3 =	sshll.u32 @!p2 s3, $0x7;
	s6 =	sor.u32 @!p2 $0x200, s6;
	s13 =	sadd.s32 @!p2 s1, s13  }
0x26: {  	[tilespmem:s6], [sflag:s4] =	stream.linear.gather @!p2 [hbm4b:s13+s14], $0x800, $0x200038;
	[tilespmem:$0x2A00] =	vst v63  }
0x27: {  	s3 =	sand.u32 @!p2 $0x1FFFFF80, s3;
	s4 =	sand.u32 @!p2 $0x1, s22  }
0x28: {  	s3 =	sadd.s32 @!p2 s2, s3;
	_ =	strace @!p2 $0x90000049;
	s6 =	sshll.u32 @!p2 s4, $0xA  }
0x29: {  	s4 =	sadd.s32 @!p2 $0x3, s4;
	_ =	strace @!p2 $0x8000004A;
	s6 =	sor.u32 @!p2 $0x1200, s6  }
0x2a: {  	[tilespmem:s6], [sflag:s4] =	stream.linear.gather @!p2 [hbm4b:s3+s14], $0x400, $0x200038;
	[tilespmem:$0x2A00] =	vst v63  }
0x2b: {  	s3 =	sand.u32 $0x1, s23;
	_ =	strace @!p2 $0x9000004A  }
0x2c: {  	s0 =	smov.u32 s24;
	s6 =	sadd.s32 $0x1, s3;
	_ =	strace $0x8000004B  }
0x2d: {  	s30 =	sadd.s32 s7, s28;
	s29 =	simm.s32 $0x0;
	_ =	swait.ge [sflag:s6], $0x800  }
0x2e: {  	s31 =	sand.u32 $0x1, s20;
	p1 =	por !p1, p0;
	[sflag:s6] =	ssyncset.done $0x0  }
0x2f: {  	s15 =	sshll.u32 s31, $0xB;
	s29 =	simm.s32 @p1 $0x1;
	[sflag:s6] =	ssyncadd.s32 $0xFFFFF800  }
0x30: {  	s29 =	simm.s32 @p0 $0x0;
	s13 =	sand.u32 $0x1, s21;
	_ =	strace $0x9000004B  }
0x31: {  	s4 =	sadd.s32 $0x3, s13;
	s14 =	sshll.u32 s21, $0xA;
	_ =	strace $0x8000004C  }
0x32: {  	s13 =	sadd.s32 $0x1A80, s15;
	s6 =	sadd.s32 @!p2 $0x1, s24;
	_ =	swait.ge [sflag:s4], $0x400  }
0x33: {  	s3 =	sshll.u32 s3, $0xB;
	s24 =	smov.u32 @p1 s6;
	[sflag:s4] =	ssyncset.done $0x0  }
0x34: {  	s3 =	sor.u32 $0x280, s3;
	s24 =	smov.u32 @p0 s0;
	[sflag:s4] =	ssyncadd.s32 $0xFFFFFC00  }
0x35: {  	s0 =	sand.u32 $0x400, s14;
	s14 =	simm.s32 $0x0;
	_ =	strace $0x9000004C  }
0x36: {  	s4 =	sor.u32 $0x1200, s0;
	s0 =	sadd.s32 $0x1A00, s15;
	_ =	strace $0x8000004D  }
.LBB2_3:
0x37: {  	v6 =	vmov s3;
	_ =	sdelay $0x3  }
0x38: {  	s15 =	simm.s32 $0x0  }
0x39: {  	v7 =	vld.idx.msk [tilespmem:v6+s15+$0x0 ss:$0x1], $0xffff  }
0x3a: {  	v5 =	vmov s4;
	v4 =	vmov s13;
	s6 =	simm.s32 $0x40;
	v8 =	vld.idx.msk [tilespmem:v6+s15+$0xFFFFFF80 ss:$0x1], $0xffff  }
.LBB2_4:
0x3b: {  	p1 =	sne.s32 s6, $0x1C0;
	_ =	sdelay $0x4  }
0x3c: {  	v7 =	vmul.f32 v7, v1;
	v8 =	vmul.f32 v8, v0;
	_ =	sdelay $0x1  }
0x3d: {  	v7 =	vadd.f32 v7, v3;
	v8 =	vadd.f32 v8, v2;
	_ =	sdelay $0x1  }
0x3e: {  	v10 =	vmul.f32 v7, v7;
	v9 =	vmul.f32 v8, v8;
	_ =	sdelay $0x1  }
0x3f: {  	v9 =	vadd.f32 v10, v9;
	_ =	sdelay $0x1  }
0x40: {  	v9 =	vmul.f32 $-5.000000000e-01, v9;
	_ =	sdelay $0x1  }
0x41: {  	v9 =	vadd.f32 $-1.837877040e+00, v9;
	_ =	sdelay $0x1  }
0x42: {  	v9 =	vadd.f32 $1.837877040e+00, v9;
	_ =	sdelay $0x1  }
0x43: {  	v9 =	vmul.f32 $1.442695020e+00, v9;
	_ =	sdelay $0x1  }
0x44: {  	(erf) = vpow2.f32 v9;
	_ =	sdelay $0x3  }
0x45: {  	v9 =	vld.idx.msk [tilespmem:v5+s15+$0x0 ss:$0x1], $0xffff;
	_ =	sdelay $0x4  }
0x46: {  	v10 =	vpop (erf)  }
0x47: {  	vm0 =	vgt.f32 v10, v9  }
.Ltmp0:
0x48: {  	v8 =	vnsel vm0, $0x0, v8;
	v7 =	vnsel vm0, $0x0, v7;
	(pc) =	sbr.rel @p1 .LBB2_4-.Ltmp0, $4  }
0x49: {  	[tilespmem:v4+s15+$0xFFFFFF80 ss:$0x1] =	vst.idx.msk $0xffff, v8  }
0x4a: {  	[tilespmem:v4+s15+$0x0 ss:$0x1] =	vst.idx.msk $0xffff, v7;
	s15 =	sshra.s32 s6, $0x2  }
0x4b: {  	v7 =	vld.idx.msk [tilespmem:v6+s15+$0x0 ss:$0x1], $0xffff  }
0x4c: {  	s6 =	sadd.s32 $0x40, s6;
	v8 =	vld.idx.msk [tilespmem:v6+s15+$0xFFFFFF80 ss:$0x1], $0xffff  }
0x4d: {  	_ =	sdelay $0x3  }
0x4e: {  	v7 =	vmul.f32 v7, v1;
	v6 =	vmul.f32 v8, v0;
	_ =	sdelay $0x1  }
0x4f: {  	v7 =	vadd.f32 v7, v3;
	v6 =	vadd.f32 v6, v2;
	_ =	sdelay $0x1  }
0x50: {  	v9 =	vmul.f32 v7, v7;
	v62 =	vmul.f32 v6, v6;
	_ =	sdelay $0x1  }
0x51: {  	v8 =	vadd.f32 v9, v62;
	_ =	sdelay $0x1  }
0x52: {  	v8 =	vmul.f32 $-5.000000000e-01, v8;
	_ =	sdelay $0x1  }
0x53: {  	v8 =	vadd.f32 $-1.837877040e+00, v8;
	_ =	sdelay $0x1  }
0x54: {  	v8 =	vadd.f32 $1.837877040e+00, v8;
	_ =	sdelay $0x1  }
0x55: {  	v8 =	vmul.f32 $1.442695020e+00, v8;
	_ =	sdelay $0x1  }
0x56: {  	(erf) = vpow2.f32 v8;
	_ =	sdelay $0x4  }
0x57: {  	v5 =	vld.idx.msk [tilespmem:v5+s15+$0x0 ss:$0x1], $0xffff;
	_ =	sdelay $0x1  }
0x58: {  	s14 =	sadd.s32 $0x1, s14  }
0x59: {  	p1 =	sne.s32 s14, $0x8  }
.Ltmp1:
0x5a: {  	v8 =	vpop (erf);
	(pc) =	sbr.rel @p1 .LBB2_3-.Ltmp1, $4  }
0x5b: {  	vm0 =	vgt.f32 v8, v5  }
0x5c: {  	v5 =	vnsel vm0, $0x0, v6  }
0x5d: {  	v63 =	vnsel vm0, $0x0, v7;
	[tilespmem:v4+s15+$0xFFFFFF80 ss:$0x1] =	vst.idx.msk $0xffff, v5  }
0x5e: {  	s4 =	sadd.s32 $0x80, s4;
	s3 =	sadd.s32 $0x100, s3;
	s13 =	sadd.s32 $0x100, s13;
	[tilespmem:v4+s15+$0x0 ss:$0x1] =	vst.idx.msk $0xffff, v63  }
0x5f: {  	p1 =	sne.s32 s28, s26  }
0x60: {  	p0 =	por p0, p1  }
0x61: {  	_ =	strace $0x9000004D;
	s3 =	sshll.u32 @p0 s30, $0x8  }
0x62: {  	p1 =	seq.s32 s25, $0x0;
	_ =	strace @p0 $0x8000004E;
	s3 =	sand.u32 @p0 $0x1FFFFF00, s3  }
0x63: {  	s4 =	sadd.s32 @p0 $0x5, s31;
	s6 =	simm.s32 @p0 $0x0;
	s3 =	sadd.s32 @p0 s8, s3  }
0x64: {  	[hbm4b:s3+s6] =	stream.linear.scatter @p0 [tilespmem:s0], [sflag:s4], $0x800, $0x200038;
	[tilespmem:$0x2A00] =	vst v63  }
0x65: {  	s0 =	sand.u32 @!p1 $0x1, s19;
	_ =	strace @p0 $0x9000004E  }
0x66: {  	s0 =	sadd.s32 @!p1 $0x5, s0;
	_ =	strace @!p1 $0x8000004F  }
0x67: {  	s3 =	simm.s32 $0x1;
	_ =	swait.ge @!p1 [sflag:s0], $0x800  }
0x68: {  	s3 =	simm.s32 @!p0 $0x0;
	p0 =	sne.s32 s25, $0x0;
	[sflag:s0] =	ssyncset.done @!p1 $0x0  }
0x69: {  	s25 =	sadd.s32 $0x1, s25;
	[sflag:s0] =	ssyncadd.s32 @!p1 $0xFFFFF800;
	s0 =	simm.s32 $0x1  }
0x6a: {  	s0 =	simm.s32 @!p0 $0x0;
	p0 =	sne.s32 s25, $0x4  }
.Ltmp2:
0x6b: {  	_ = 	snop;
	(pc) =	sbr.rel @p0 .LBB2_2-.Ltmp2, $4  }
0x6c: {  	_ = 	snop  }
0x6d: {  	s22 =	sadd.s32 s22, s29  }
0x6e: {  	s28 =	smov.u32 s26;
	s20 =	sadd.s32 s3, s20;
	s23 =	sadd.s32 s3, s23  }
0x6f: {  	s21 =	sadd.s32 s3, s21;
	_ =	strace @!p1 $0x9000004F;
	s19 =	sadd.s32 s0, s19  }
0x70: {  	s18 =	sadd.s32 $0x1, s18  }
0x71: {  	p0 =	sne.s32 s18, s12  }
.Ltmp3:
0x72: {  	_ =	strace $0x80000050;
	(pc) =	sbr.rel @p0 .LBB2_1-.Ltmp3, $4  }
0x73: {  	_ =	swait.ge [sflag:s17], $0x800  }
0x74: {  	[sflag:s17] =	ssyncset.done $0x0  }
0x75: {  	[sflag:s17] =	ssyncadd.s32 $0xFFFFF800  }
0x76: {  	_ =	strace $0x90000050  }
0x77: {  	_ =	sfence.sel $0x180000  }
0x78: {  	[bflag:$0x0] =	sbarrier.arrive $0xFFFF  }
0x79: {  	_ =	strace $0x90000047  }
0x7a: {  	s0 =	stileid.u32;
	[bflag:$0x2] =	sbarrier.arrive $0xFFFF  }
0x7b: {  	p0 =	sne.s32 s0, $0x0;
	s0 =	rddreg [dreg:$0x4]  }
0x7c: {  	s0 =	sadd.s32 @!p0 $0x100000, s0  }
0x7d: {  	[sflag:s0] =	ssyncadd.tile.s32 @!p0 $0x1;
	_ =	shalt  }
.Lfunc_end2:
_tile_overlayer_lowered:
.L_overlay_start_2:
0x7e: {  	(tag) =	ssettag $0x2  }
0x7f: {  	s0 =	rddreg [dreg:$0x0];
	s2 =	stileid.u32  }
0x80: {  	s1 =	rddreg [dreg:$0x1];
	p0 =	sne.s32 s2, $0x0  }
0x81: {  	s3 =	rddreg [dreg:$0x2];
	[bflag:$0x3] =	sbarrier.arrive $0xFFFF;
	s2 =	simm.s32 @!p0 $0x1C01  }
0x82: {  	[timem:s3], [sflag:s2] =	dma.local @!p0 [hbm:s0], s1  }
0x83: {  	s0 =	simm.s32 @!p0 $0x1  }
0x84: {  	_ =	swait.ge @!p0 [sflag:s0], s1  }
0x85: {  	s1 =	ssub.s32 @!p0 $0x0, s1;
	[sflag:s0] =	ssyncset.done @!p0 $0x0  }
0x86: {  	[sflag:s0] =	ssyncadd.s32 @!p0 s1  }
0x87: {  	[bflag:$0x3] =	sbarrier.arrive $0xFFFF  }
0x88: {  	_ =	shalt  }

</sc_bundles>
